<compile_context>
chip_gen: v7x
topology: tpu7x:2x2x1
jax: 0.10.2.dev20260603
libtpu: 0.0.44.dev20260713+nightly
codegen_flags: <defaults>
</compile_context>

<pallas_src>
import functools

import jax
import jax.numpy as jnp
from jax import lax
from jax.experimental import pallas as pl
from jax.experimental.pallas import tpu as pltpu
from jax.experimental.pallas import tpu_sc as plsc

N_NODES = 10000
N_EDGES = 160000
D_FEAT = 256
D_HALF = D_FEAT // 2

NC, NS = 2, 16
NW = NC * NS
BATCH = 128
DBATCH = 128
E_PAD = 163840
PER_SUB = E_PAD // NS
PER_WORKER = E_PAD // NW
ACC_N = 10112
TRASH_ROW = N_NODES
WSTRIPE = 632
WLAST = N_NODES - WSTRIPE
WCHUNK = 40
WOFFS = tuple(range(0, 600, 40)) + (592,)
NBUF = 2
CHUNK_B = 8
N_CHUNKS = PER_SUB // (CHUNK_B * BATCH)


def _writeback(acc, wbuf, out_hbm, sid, out_base):
    del wbuf
    w0 = jnp.minimum(sid * WSTRIPE, WLAST)
    pltpu.sync_copy(acc.at[pl.ds(w0, WSTRIPE)],
                    out_hbm.at[pl.ds(out_base + w0, WSTRIPE)])


def _sc_features(table, src2, dst1, zeros):
    mesh = plsc.VectorSubcoreMesh(core_axis_name="c", subcore_axis_name="s")

    @functools.partial(
        pl.kernel,
        mesh=mesh,
        out_type=jax.ShapeDtypeStruct((NC * N_NODES, D_HALF), jnp.float32),
        scratch_types=[
            pltpu.VMEM((CHUNK_B, BATCH), jnp.int32),
            pltpu.VMEM((CHUNK_B, BATCH), jnp.int32),
        ] + [
            pltpu.VMEM((BATCH, D_HALF), jnp.float32)
            for _ in range(NBUF)
        ] + [
            pltpu.VMEM((WCHUNK, D_HALF), jnp.float32),
            pltpu.VMEM_SHARED((ACC_N, D_HALF), jnp.float32),
            pltpu.SemaphoreType.DMA,
            pltpu.SemaphoreType.DMA,
        ],
    )
    def sc_kernel(table_hbm, src_hbm, dst_hbm, zeros_hbm, agg_hbm,
                  src_c, dst_c, *rest):
        bufs = rest[:NBUF]
        wbuf, acc, sem_g, sem_s = rest[NBUF:]
        cid = lax.axis_index("c")
        sid = lax.axis_index("s")

        @pl.when(sid == 0)
        def _():
            pltpu.sync_copy(zeros_hbm, acc)

        plsc.subcore_barrier()

        srow = cid * (E_PAD // BATCH) + sid * (PER_SUB // BATCH)
        drow = sid * (PER_SUB // BATCH)

        @pl.loop(0, N_CHUNKS)
        def _(c):
            pltpu.sync_copy(src_hbm.at[pl.ds(srow + c * CHUNK_B, CHUNK_B)],
                            src_c)
            pltpu.sync_copy(dst_hbm.at[pl.ds(drow + c * CHUNK_B, CHUNK_B)],
                            dst_c)
            for p in range(NBUF - 1):
                pltpu.async_copy(table_hbm.at[src_c.at[p]], bufs[p], sem_g)
            for j in range(CHUNK_B):
                cur = bufs[j % NBUF]
                pltpu.make_async_copy(table_hbm.at[src_c.at[j]], cur,
                                      sem_g).wait()
                nj = j + NBUF - 1
                if nj < CHUNK_B:
                    if j >= 1:
                        pltpu.make_async_copy(bufs[(j - 1) % NBUF],
                                              acc.at[dst_c.at[j - 1]],
                                              sem_s).wait()
                    pltpu.async_copy(table_hbm.at[src_c.at[nj]],
                                     bufs[nj % NBUF], sem_g)
                pltpu.async_copy(cur, acc.at[dst_c.at[j]], sem_s, add=True)
            for r in range(max(0, CHUNK_B - NBUF), CHUNK_B):
                pltpu.make_async_copy(bufs[r % NBUF],
                                      acc.at[dst_c.at[r]], sem_s).wait()

        plsc.subcore_barrier()
        _writeback(acc, wbuf, agg_hbm, sid, cid * N_NODES)

    return sc_kernel(table, src2, dst1, zeros)


def _sc_degree(dst1, zeros, ones):
    mesh = plsc.VectorSubcoreMesh(core_axis_name="c", subcore_axis_name="s")

    @functools.partial(
        pl.kernel,
        mesh=mesh,
        out_type=jax.ShapeDtypeStruct((NC * N_NODES, D_HALF), jnp.float32),
        scratch_types=[
            pltpu.VMEM((DBATCH,), jnp.int32),
            pltpu.VMEM((DBATCH, D_HALF), jnp.float32),
            pltpu.VMEM((WCHUNK, D_HALF), jnp.float32),
            pltpu.VMEM_SHARED((ACC_N, D_HALF), jnp.float32),
        ],
    )
    def sc_kernel(dst_hbm, zeros_hbm, ones_hbm, deg_hbm,
                  dst_v, ones_v, wbuf, dacc):
        cid = lax.axis_index("c")
        sid = lax.axis_index("s")

        @pl.when(sid == 0)
        def _():
            pltpu.sync_copy(zeros_hbm, dacc)

        pltpu.sync_copy(ones_hbm, ones_v)
        plsc.subcore_barrier()

        base = (sid * NC + cid) * (PER_WORKER // DBATCH)

        @pl.loop(0, PER_WORKER // DBATCH)
        def _(j):
            pltpu.sync_copy(dst_hbm.at[base + j], dst_v)
            pltpu.sync_copy(ones_v, dacc.at[dst_v], add=True)

        plsc.subcore_barrier()
        _writeback(dacc, wbuf, deg_hbm, sid, cid * N_NODES)

    return sc_kernel(dst1, zeros, ones)


def _divide_body(lo_ref, hi_ref, d0_ref, d1_ref, o_ref):
    d = d0_ref[:, 0:1] + d1_ref[:, 0:1]
    d = jnp.where(d == 0.0, 1.0, d)
    o_ref[:, :D_HALF] = lo_ref[...] / d
    o_ref[:, D_HALF:] = hi_ref[...] / d


def _tc_divide(agg, deg):
    blk = 1000
    nblk = N_NODES // blk
    return pl.pallas_call(
        _divide_body,
        grid=(nblk,),
        in_specs=[
            pl.BlockSpec((blk, D_HALF), lambda i: (i, 0)),
            pl.BlockSpec((blk, D_HALF), lambda i: (i + nblk, 0)),
            pl.BlockSpec((blk, D_HALF), lambda i: (i, 0)),
            pl.BlockSpec((blk, D_HALF), lambda i: (i + nblk, 0)),
        ],
        out_specs=pl.BlockSpec((blk, D_FEAT), lambda i: (i, 0)),
        out_shape=jax.ShapeDtypeStruct((N_NODES, D_FEAT), jnp.float32),
    )(agg, agg, deg, deg)


@jax.jit
def kernel(x, edge_index):
    dst = edge_index[0].astype(jnp.int32)
    src = edge_index[1].astype(jnp.int32)
    pad = E_PAD - N_EDGES
    src_p = jnp.concatenate([src, jnp.zeros((pad,), jnp.int32)])
    dst_p = jnp.concatenate([dst, jnp.full((pad,), TRASH_ROW, jnp.int32)])
    src2 = jnp.concatenate([src_p, src_p + N_NODES])
    src2 = src2.reshape(NC * E_PAD // BATCH, BATCH)
    dst64 = dst_p.reshape(E_PAD // BATCH, BATCH)
    dst128 = dst_p.reshape(E_PAD // DBATCH, DBATCH)
    table = jnp.concatenate([x[:, :D_HALF], x[:, D_HALF:]])
    zeros = jnp.zeros((ACC_N, D_HALF), jnp.float32)
    ones = jnp.ones((DBATCH, D_HALF), jnp.float32)
    agg = _sc_features(table, src2, dst64, zeros)
    deg = _sc_degree(dst128, zeros, ones)
    return _tc_divide(agg, deg)

# --- scband reference (transcript-rebuilt; emitter-appended) ---
"""Pipeline reference for scband-message-passing-layer-53317724013256 (READ-ONLY COPY).

The authoritative reference and input builder live on the scoring server;
editing this copy changes nothing except your own understanding.
"""

import jax, jax.numpy as jnp
import numpy as np

N_NODES = 10000
N_EDGES = 160000
D_FEAT = 256


def setup_inputs(seed: int = 0) -> dict:
    key = jax.random.key(seed)
    k1, k2 = jax.random.split(key)
    x = jax.random.normal(k1, (N_NODES, D_FEAT), dtype=jnp.float32)
    edge_index = jax.random.randint(k2, (2, N_EDGES), 0, N_NODES, dtype=jnp.int64)
    return {"x": x, "edge_index": edge_index}


def reference(x, edge_index):
    # msg = identity (default), aggr = 'mean', update = return aggregate (default)
    # _add_aggr: scatter-add messages from source nodes edge_index[1] into dst nodes edge_index[0]
    src = jnp.take(x, edge_index[1], axis=0)  # gather: [E, d]
    aggregated = jnp.zeros_like(x).at[edge_index[0]].add(src)  # scatter-add: [N, d]
    # _mean_aggr: divide by in-degree of dst nodes (degree over edge_index[0]), zero-degree -> 1
    deg = jnp.bincount(edge_index[0], length=x.shape[0]).astype(x.dtype)  # [N]
    deg = jnp.where(deg == 0, jnp.ones_like(deg), deg)
    out = aggregated / deg[:, None]
    return out

if __name__ == "__main__":
    import jax
    _d = setup_inputs()
    print(jax.jit(kernel)(*tuple(_d.values())))

</pallas_src>

<mosaic_0001>
#map = affine_map<(d0, d1) -> (0, 0)>
module attributes {stable_mosaic.version = 14 : i64} {
  func.func @sc_kernel(%arg0: i32, %arg1: i32, %arg2: memref<1280x128xi32, #tpu.memory_space<hbm>>, %arg3: memref<10112x128xf32, #tpu.memory_space<hbm>>, %arg4: memref<128x128xf32, #tpu.memory_space<hbm>>, %arg5: memref<20000x128xf32, #tpu.memory_space<hbm>>, %arg6: memref<128xi32, #tpu.memory_space<vmem>>, %arg7: memref<128x128xf32, #tpu.memory_space<vmem>>, %arg8: memref<40x128xf32, #tpu.memory_space<vmem>>, %arg9: memref<10112x128xf32, #tpu.memory_space<vmem_shared>>) attributes {dimension_semantics = [#tpu.dimension_semantics<core_parallel>, #tpu.dimension_semantics<subcore_parallel>], iteration_bounds = array<i64: 2, 16>, scalar_prefetch = 0 : i64, scratch_operands = 4 : i64, tpu.core_type = #tpu.core_type<sc_vector_subcore>, window_params = [{transform_indices = #map}, {transform_indices = #map}, {transform_indices = #map}, {transform_indices = #map}]} {
    %eq3A = arith.constant 0 : i32
    %eq3A_0 = arith.cmpi eq, %arg1, %eq3A : i32
    %convert_element_type3A = arith.extui %eq3A_0 : i1 to i32
    %cond3A = arith.constant 0 : i32
    %cond3A_1 = arith.cmpi ne, %convert_element_type3A, %cond3A : i32
    scf.if %cond3A_1 {
      "tpu.region"() ({
        %run_scoped3A = tpu.sem_alloc : memref<!tpu.dma_semaphore, #tpu.memory_space<semaphore_mem>>
        tpu.enqueue_dma source(%arg3 : memref<10112x128xf32, #tpu.memory_space<hbm>>) target(%arg9 : memref<10112x128xf32, #tpu.memory_space<vmem_shared>>) target_semaphore(%run_scoped3A : memref<!tpu.dma_semaphore, #tpu.memory_space<semaphore_mem>>)
        tpu.wait_dma2 semaphore(%run_scoped3A : memref<!tpu.dma_semaphore, #tpu.memory_space<semaphore_mem>>) src(%arg3 : memref<10112x128xf32, #tpu.memory_space<hbm>>) dst(%arg9 : memref<10112x128xf32, #tpu.memory_space<vmem_shared>>)
        tpu.yield
      }) : () -> ()
    } else {
    }
    "tpu.region"() ({
      %run_scoped3A = tpu.sem_alloc : memref<!tpu.dma_semaphore, #tpu.memory_space<semaphore_mem>>
      tpu.enqueue_dma source(%arg4 : memref<128x128xf32, #tpu.memory_space<hbm>>) target(%arg7 : memref<128x128xf32, #tpu.memory_space<vmem>>) target_semaphore(%run_scoped3A : memref<!tpu.dma_semaphore, #tpu.memory_space<semaphore_mem>>)
      tpu.wait_dma2 semaphore(%run_scoped3A : memref<!tpu.dma_semaphore, #tpu.memory_space<semaphore_mem>>) src(%arg4 : memref<128x128xf32, #tpu.memory_space<hbm>>) dst(%arg7 : memref<128x128xf32, #tpu.memory_space<vmem>>)
      tpu.yield
    }) : () -> ()
    %barrier3A = arith.constant 0 : index
    tpu.barrier barrier_id(%barrier3A)
    %mul3A = arith.constant 2 : i32
    %mul3A_2 = arith.muli %arg1, %mul3A : i32
    %add3A = arith.addi %mul3A_2, %arg0 : i32
    %mul3A_3 = arith.constant 40 : i32
    %mul3A_4 = arith.muli %add3A, %mul3A_3 : i32
    %scan3A = arith.constant 0 : i32
    %scan3A_5 = arith.constant 40 : i32
    %scan3A_6 = arith.addi %scan3A, %scan3A_5 : i32
    %scan3A_7 = arith.constant 1 : i32
    scf.for %scan3A_16 = %scan3A to %scan3A_6 step %scan3A_7  : i32 {
      %mul3A_17 = arith.constant 1 : i32
      %mul3A_18 = arith.muli %scan3A_16, %mul3A_17 : i32
      %add3A_19 = arith.constant 0 : i32
      %add3A_20 = arith.addi %add3A_19, %mul3A_18 : i32
      %add3A_21 = arith.addi %mul3A_4, %add3A_20 : i32
      "tpu.region"() ({
        %run_scoped3A = tpu.sem_alloc : memref<!tpu.dma_semaphore, #tpu.memory_space<semaphore_mem>>
        %dma_start3A = arith.constant 0 : i32
        %dma_start3A_22 = tpu.memref_slice %arg2[%add3A_21, %dma_start3A] : memref<1280x128xi32, #tpu.memory_space<hbm>> -> memref<1x128xi32, #tpu.memory_space<hbm>>
        %dma_start3A_23 = tpu.memref_squeeze %dma_start3A_22 : memref<1x128xi32, #tpu.memory_space<hbm>> -> memref<128xi32, #tpu.memory_space<hbm>>
        %dma_start3A_24 = arith.constant 0 : i32
        %dma_start3A_25 = tpu.memref_slice %arg2[%add3A_21, %dma_start3A_24] : memref<1280x128xi32, #tpu.memory_space<hbm>> -> memref<1x128xi32, #tpu.memory_space<hbm>>
        %dma_start3A_26 = tpu.memref_squeeze %dma_start3A_25 : memref<1x128xi32, #tpu.memory_space<hbm>> -> memref<128xi32, #tpu.memory_space<hbm>>
        tpu.enqueue_dma source(%dma_start3A_26 : memref<128xi32, #tpu.memory_space<hbm>>) target(%arg6 : memref<128xi32, #tpu.memory_space<vmem>>) target_semaphore(%run_scoped3A : memref<!tpu.dma_semaphore, #tpu.memory_space<semaphore_mem>>)
        %dma_wait3A = arith.constant 0 : i32
        %dma_wait3A_27 = tpu.memref_slice %arg2[%add3A_21, %dma_wait3A] : memref<1280x128xi32, #tpu.memory_space<hbm>> -> memref<1x128xi32, #tpu.memory_space<hbm>>
        %dma_wait3A_28 = tpu.memref_squeeze %dma_wait3A_27 : memref<1x128xi32, #tpu.memory_space<hbm>> -> memref<128xi32, #tpu.memory_space<hbm>>
        %dma_wait3A_29 = arith.constant 0 : i32
        %dma_wait3A_30 = tpu.memref_slice %arg2[%add3A_21, %dma_wait3A_29] : memref<1280x128xi32, #tpu.memory_space<hbm>> -> memref<1x128xi32, #tpu.memory_space<hbm>>
        %dma_wait3A_31 = tpu.memref_squeeze %dma_wait3A_30 : memref<1x128xi32, #tpu.memory_space<hbm>> -> memref<128xi32, #tpu.memory_space<hbm>>
        tpu.wait_dma2 semaphore(%run_scoped3A : memref<!tpu.dma_semaphore, #tpu.memory_space<semaphore_mem>>) src(%dma_wait3A_31 : memref<128xi32, #tpu.memory_space<hbm>>) dst(%arg6 : memref<128xi32, #tpu.memory_space<vmem>>)
        tpu.yield
      }) : () -> ()
      "tpu.region"() ({
        %run_scoped3A = tpu.sem_alloc : memref<!tpu.dma_semaphore, #tpu.memory_space<semaphore_mem>>
        %dma_start3A = arith.constant 0 : i32
        %dma_start3A_22 = arith.constant 0 : i32
        %dma_start3A_23 = tpu.memref_slice %arg9[%dma_start3A, %dma_start3A_22] : memref<10112x128xf32, #tpu.memory_space<vmem_shared>> -> memref<10112x128xf32, #tpu.memory_space<vmem_shared>>
        tpu.enqueue_indirect_dma source(%arg7 : memref<128x128xf32, #tpu.memory_space<vmem>>) target(%dma_start3A_23 : memref<10112x128xf32, #tpu.memory_space<vmem_shared>>) offsets(%arg6 : memref<128xi32, #tpu.memory_space<vmem>>) semaphore(%run_scoped3A : memref<!tpu.dma_semaphore, #tpu.memory_space<semaphore_mem>>) {add = true}
        %dma_wait3A = arith.constant 0 : i32
        %dma_wait3A_24 = arith.constant 0 : i32
        %dma_wait3A_25 = tpu.memref_slice %arg9[%dma_wait3A, %dma_wait3A_24] : memref<10112x128xf32, #tpu.memory_space<vmem_shared>> -> memref<10112x128xf32, #tpu.memory_space<vmem_shared>>
        tpu.wait_indirect_dma semaphore(%run_scoped3A : memref<!tpu.dma_semaphore, #tpu.memory_space<semaphore_mem>>) src(%arg7 : memref<128x128xf32, #tpu.memory_space<vmem>>) dst(%dma_wait3A_25 : memref<10112x128xf32, #tpu.memory_space<vmem_shared>>)
        tpu.yield
      }) : () -> ()
    }
    %scan3A_8 = arith.constant 40 : i32
    %barrier3A_9 = arith.constant 0 : index
    tpu.barrier barrier_id(%barrier3A_9)
    %mul3A_10 = arith.constant 10000 : i32
    %mul3A_11 = arith.muli %arg0, %mul3A_10 : i32
    %mul3A_12 = arith.constant 632 : i32
    %mul3A_13 = arith.muli %arg1, %mul3A_12 : i32
    %min3A = arith.constant 9368 : i32
    %min3A_14 = arith.minsi %mul3A_13, %min3A : i32
    %add3A_15 = arith.addi %mul3A_11, %min3A_14 : i32
    "tpu.region"() ({
      %run_scoped3A = tpu.sem_alloc : memref<!tpu.dma_semaphore, #tpu.memory_space<semaphore_mem>>
      %dma_start3A = arith.constant 0 : i32
      %dma_start3A_16 = tpu.memref_slice %arg5[%add3A_15, %dma_start3A] : memref<20000x128xf32, #tpu.memory_space<hbm>> -> memref<632x128xf32, #tpu.memory_space<hbm>>
      %dma_start3A_17 = arith.constant 0 : i32
      %dma_start3A_18 = tpu.memref_slice %arg9[%min3A_14, %dma_start3A_17] : memref<10112x128xf32, #tpu.memory_space<vmem_shared>> -> memref<632x128xf32, #tpu.memory_space<vmem_shared>>
      tpu.enqueue_dma source(%dma_start3A_18 : memref<632x128xf32, #tpu.memory_space<vmem_shared>>) target(%dma_start3A_16 : memref<632x128xf32, #tpu.memory_space<hbm>>) target_semaphore(%run_scoped3A : memref<!tpu.dma_semaphore, #tpu.memory_space<semaphore_mem>>)
      %dma_wait3A = arith.constant 0 : i32
      %dma_wait3A_19 = tpu.memref_slice %arg5[%add3A_15, %dma_wait3A] : memref<20000x128xf32, #tpu.memory_space<hbm>> -> memref<632x128xf32, #tpu.memory_space<hbm>>
      %dma_wait3A_20 = arith.constant 0 : i32
      %dma_wait3A_21 = tpu.memref_slice %arg9[%min3A_14, %dma_wait3A_20] : memref<10112x128xf32, #tpu.memory_space<vmem_shared>> -> memref<632x128xf32, #tpu.memory_space<vmem_shared>>
      tpu.wait_dma2 semaphore(%run_scoped3A : memref<!tpu.dma_semaphore, #tpu.memory_space<semaphore_mem>>) src(%dma_wait3A_21 : memref<632x128xf32, #tpu.memory_space<vmem_shared>>) dst(%dma_wait3A_19 : memref<632x128xf32, #tpu.memory_space<hbm>>)
      tpu.yield
    }) : () -> ()
    return
  }
}

#map = affine_map<(d0, d1) -> (0, 0)>
module attributes {stable_mosaic.version = 14 : i64} {
  func.func @sc_kernel(%arg0: i32, %arg1: i32, %arg2: memref<20000x128xf32, #tpu.memory_space<hbm>>, %arg3: memref<2560x128xi32, #tpu.memory_space<hbm>>, %arg4: memref<1280x128xi32, #tpu.memory_space<hbm>>, %arg5: memref<10112x128xf32, #tpu.memory_space<hbm>>, %arg6: memref<20000x128xf32, #tpu.memory_space<hbm>>, %arg7: memref<8x128xi32, #tpu.memory_space<vmem>>, %arg8: memref<8x128xi32, #tpu.memory_space<vmem>>, %arg9: memref<128x128xf32, #tpu.memory_space<vmem>>, %arg10: memref<128x128xf32, #tpu.memory_space<vmem>>, %arg11: memref<40x128xf32, #tpu.memory_space<vmem>>, %arg12: memref<10112x128xf32, #tpu.memory_space<vmem_shared>>, %arg13: memref<!tpu.dma_semaphore, #tpu.memory_space<semaphore_mem>>, %arg14: memref<!tpu.dma_semaphore, #tpu.memory_space<semaphore_mem>>) attributes {dimension_semantics = [#tpu.dimension_semantics<core_parallel>, #tpu.dimension_semantics<subcore_parallel>], iteration_bounds = array<i64: 2, 16>, scalar_prefetch = 0 : i64, scratch_operands = 8 : i64, tpu.core_type = #tpu.core_type<sc_vector_subcore>, window_params = [{transform_indices = #map}, {transform_indices = #map}, {transform_indices = #map}, {transform_indices = #map}, {transform_indices = #map}]} {
    %eq3A = arith.constant 0 : i32
    %eq3A_0 = arith.cmpi eq, %arg1, %eq3A : i32
    %convert_element_type3A = arith.extui %eq3A_0 : i1 to i32
    %cond3A = arith.constant 0 : i32
    %cond3A_1 = arith.cmpi ne, %convert_element_type3A, %cond3A : i32
    scf.if %cond3A_1 {
      "tpu.region"() ({
        %run_scoped3A = tpu.sem_alloc : memref<!tpu.dma_semaphore, #tpu.memory_space<semaphore_mem>>
        tpu.enqueue_dma source(%arg5 : memref<10112x128xf32, #tpu.memory_space<hbm>>) target(%arg12 : memref<10112x128xf32, #tpu.memory_space<vmem_shared>>) target_semaphore(%run_scoped3A : memref<!tpu.dma_semaphore, #tpu.memory_space<semaphore_mem>>)
        tpu.wait_dma2 semaphore(%run_scoped3A : memref<!tpu.dma_semaphore, #tpu.memory_space<semaphore_mem>>) src(%arg5 : memref<10112x128xf32, #tpu.memory_space<hbm>>) dst(%arg12 : memref<10112x128xf32, #tpu.memory_space<vmem_shared>>)
        tpu.yield
      }) : () -> ()
    } else {
    }
    %barrier3A = arith.constant 0 : index
    tpu.barrier barrier_id(%barrier3A)
    %mul3A = arith.constant 1280 : i32
    %mul3A_2 = arith.muli %arg0, %mul3A : i32
    %mul3A_3 = arith.constant 80 : i32
    %mul3A_4 = arith.muli %arg1, %mul3A_3 : i32
    %add3A = arith.addi %mul3A_2, %mul3A_4 : i32
    %mul3A_5 = arith.constant 80 : i32
    %mul3A_6 = arith.muli %arg1, %mul3A_5 : i32
    %scan3A = arith.constant 0 : i32
    %scan3A_7 = arith.constant 10 : i32
    %scan3A_8 = arith.addi %scan3A, %scan3A_7 : i32
    %scan3A_9 = arith.constant 1 : i32
    scf.for %scan3A_18 = %scan3A to %scan3A_8 step %scan3A_9  : i32 {
      %mul3A_19 = arith.constant 1 : i32
      %mul3A_20 = arith.muli %scan3A_18, %mul3A_19 : i32
      %add3A_21 = arith.constant 0 : i32
      %add3A_22 = arith.addi %add3A_21, %mul3A_20 : i32
      %mul3A_23 = arith.constant 8 : i32
      %mul3A_24 = arith.muli %add3A_22, %mul3A_23 : i32
      %add3A_25 = arith.addi %add3A, %mul3A_24 : i32
      "tpu.region"() ({
        %run_scoped3A = tpu.sem_alloc : memref<!tpu.dma_semaphore, #tpu.memory_space<semaphore_mem>>
        %dma_start3A_251 = arith.constant 0 : i32
        %dma_start3A_252 = tpu.memref_slice %arg3[%add3A_25, %dma_start3A_251] : memref<2560x128xi32, #tpu.memory_space<hbm>> -> memref<8x128xi32, #tpu.memory_space<hbm>>
        %dma_start3A_253 = arith.constant 0 : i32
        %dma_start3A_254 = tpu.memref_slice %arg3[%add3A_25, %dma_start3A_253] : memref<2560x128xi32, #tpu.memory_space<hbm>> -> memref<8x128xi32, #tpu.memory_space<hbm>>
        tpu.enqueue_dma source(%dma_start3A_254 : memref<8x128xi32, #tpu.memory_space<hbm>>) target(%arg7 : memref<8x128xi32, #tpu.memory_space<vmem>>) target_semaphore(%run_scoped3A : memref<!tpu.dma_semaphore, #tpu.memory_space<semaphore_mem>>)
        %dma_wait3A_255 = arith.constant 0 : i32
        %dma_wait3A_256 = tpu.memref_slice %arg3[%add3A_25, %dma_wait3A_255] : memref<2560x128xi32, #tpu.memory_space<hbm>> -> memref<8x128xi32, #tpu.memory_space<hbm>>
        %dma_wait3A_257 = arith.constant 0 : i32
        %dma_wait3A_258 = tpu.memref_slice %arg3[%add3A_25, %dma_wait3A_257] : memref<2560x128xi32, #tpu.memory_space<hbm>> -> memref<8x128xi32, #tpu.memory_space<hbm>>
        tpu.wait_dma2 semaphore(%run_scoped3A : memref<!tpu.dma_semaphore, #tpu.memory_space<semaphore_mem>>) src(%dma_wait3A_258 : memref<8x128xi32, #tpu.memory_space<hbm>>) dst(%arg7 : memref<8x128xi32, #tpu.memory_space<vmem>>)
        tpu.yield
      }) : () -> ()
      %mul3A_26 = arith.constant 8 : i32
      %mul3A_27 = arith.muli %add3A_22, %mul3A_26 : i32
      %add3A_28 = arith.addi %mul3A_6, %mul3A_27 : i32
      "tpu.region"() ({
        %run_scoped3A = tpu.sem_alloc : memref<!tpu.dma_semaphore, #tpu.memory_space<semaphore_mem>>
        %dma_start3A_251 = arith.constant 0 : i32
        %dma_start3A_252 = tpu.memref_slice %arg4[%add3A_28, %dma_start3A_251] : memref<1280x128xi32, #tpu.memory_space<hbm>> -> memref<8x128xi32, #tpu.memory_space<hbm>>
        %dma_start3A_253 = arith.constant 0 : i32
        %dma_start3A_254 = tpu.memref_slice %arg4[%add3A_28, %dma_start3A_253] : memref<1280x128xi32, #tpu.memory_space<hbm>> -> memref<8x128xi32, #tpu.memory_space<hbm>>
        tpu.enqueue_dma source(%dma_start3A_254 : memref<8x128xi32, #tpu.memory_space<hbm>>) target(%arg8 : memref<8x128xi32, #tpu.memory_space<vmem>>) target_semaphore(%run_scoped3A : memref<!tpu.dma_semaphore, #tpu.memory_space<semaphore_mem>>)
        %dma_wait3A_255 = arith.constant 0 : i32
        %dma_wait3A_256 = tpu.memref_slice %arg4[%add3A_28, %dma_wait3A_255] : memref<1280x128xi32, #tpu.memory_space<hbm>> -> memref<8x128xi32, #tpu.memory_space<hbm>>
        %dma_wait3A_257 = arith.constant 0 : i32
        %dma_wait3A_258 = tpu.memref_slice %arg4[%add3A_28, %dma_wait3A_257] : memref<1280x128xi32, #tpu.memory_space<hbm>> -> memref<8x128xi32, #tpu.memory_space<hbm>>
        tpu.wait_dma2 semaphore(%run_scoped3A : memref<!tpu.dma_semaphore, #tpu.memory_space<semaphore_mem>>) src(%dma_wait3A_258 : memref<8x128xi32, #tpu.memory_space<hbm>>) dst(%arg8 : memref<8x128xi32, #tpu.memory_space<vmem>>)
        tpu.yield
      }) : () -> ()
      %dma_start3A = arith.constant 0 : i32
      %dma_start3A_29 = arith.constant 0 : i32
      %dma_start3A_30 = tpu.memref_slice %arg7[%dma_start3A, %dma_start3A_29] : memref<8x128xi32, #tpu.memory_space<vmem>> -> memref<1x128xi32, #tpu.memory_space<vmem>>
      %dma_start3A_31 = tpu.memref_squeeze %dma_start3A_30 : memref<1x128xi32, #tpu.memory_space<vmem>> -> memref<128xi32, #tpu.memory_space<vmem>>
      %dma_start3A_32 = arith.constant 0 : i32
      %dma_start3A_33 = arith.constant 0 : i32
      %dma_start3A_34 = tpu.memref_slice %arg2[%dma_start3A_32, %dma_start3A_33] : memref<20000x128xf32, #tpu.memory_space<hbm>> -> memref<20000x128xf32, #tpu.memory_space<hbm>>
      tpu.enqueue_indirect_dma source(%dma_start3A_34 : memref<20000x128xf32, #tpu.memory_space<hbm>>) target(%arg9 : memref<128x128xf32, #tpu.memory_space<vmem>>) offsets(%dma_start3A_31 : memref<128xi32, #tpu.memory_space<vmem>>) semaphore(%arg13 : memref<!tpu.dma_semaphore, #tpu.memory_space<semaphore_mem>>)
      %dma_wait3A = arith.constant 0 : i32
      %dma_wait3A_35 = arith.constant 0 : i32
      %dma_wait3A_36 = tpu.memref_slice %arg7[%dma_wait3A, %dma_wait3A_35] : memref<8x128xi32, #tpu.memory_space<vmem>> -> memref<1x128xi32, #tpu.memory_space<vmem>>
      %dma_wait3A_37 = tpu.memref_squeeze %dma_wait3A_36 : memref<1x128xi32, #tpu.memory_space<vmem>> -> memref<128xi32, #tpu.memory_space<vmem>>
      %dma_wait3A_38 = arith.constant 0 : i32
      %dma_wait3A_39 = arith.constant 0 : i32
      %dma_wait3A_40 = tpu.memref_slice %arg2[%dma_wait3A_38, %dma_wait3A_39] : memref<20000x128xf32, #tpu.memory_space<hbm>> -> memref<20000x128xf32, #tpu.memory_space<hbm>>
      tpu.wait_indirect_dma semaphore(%arg13 : memref<!tpu.dma_semaphore, #tpu.memory_space<semaphore_mem>>) src(%dma_wait3A_40 : memref<20000x128xf32, #tpu.memory_space<hbm>>) dst(%arg9 : memref<128x128xf32, #tpu.memory_space<vmem>>)
      %dma_start3A_41 = arith.constant 1 : i32
      %dma_start3A_42 = arith.constant 0 : i32
      %dma_start3A_43 = tpu.memref_slice %arg7[%dma_start3A_41, %dma_start3A_42] : memref<8x128xi32, #tpu.memory_space<vmem>> -> memref<1x128xi32, #tpu.memory_space<vmem>>
      %dma_start3A_44 = tpu.memref_squeeze %dma_start3A_43 : memref<1x128xi32, #tpu.memory_space<vmem>> -> memref<128xi32, #tpu.memory_space<vmem>>
      %dma_start3A_45 = arith.constant 0 : i32
      %dma_start3A_46 = arith.constant 0 : i32
      %dma_start3A_47 = tpu.memref_slice %arg2[%dma_start3A_45, %dma_start3A_46] : memref<20000x128xf32, #tpu.memory_space<hbm>> -> memref<20000x128xf32, #tpu.memory_space<hbm>>
      tpu.enqueue_indirect_dma source(%dma_start3A_47 : memref<20000x128xf32, #tpu.memory_space<hbm>>) target(%arg10 : memref<128x128xf32, #tpu.memory_space<vmem>>) offsets(%dma_start3A_44 : memref<128xi32, #tpu.memory_space<vmem>>) semaphore(%arg13 : memref<!tpu.dma_semaphore, #tpu.memory_space<semaphore_mem>>)
      %dma_start3A_48 = arith.constant 0 : i32
      %dma_start3A_49 = arith.constant 0 : i32
      %dma_start3A_50 = tpu.memref_slice %arg8[%dma_start3A_48, %dma_start3A_49] : memref<8x128xi32, #tpu.memory_space<vmem>> -> memref<1x128xi32, #tpu.memory_space<vmem>>
      %dma_start3A_51 = tpu.memref_squeeze %dma_start3A_50 : memref<1x128xi32, #tpu.memory_space<vmem>> -> memref<128xi32, #tpu.memory_space<vmem>>
      %dma_start3A_52 = arith.constant 0 : i32
      %dma_start3A_53 = arith.constant 0 : i32
      %dma_start3A_54 = tpu.memref_slice %arg12[%dma_start3A_52, %dma_start3A_53] : memref<10112x128xf32, #tpu.memory_space<vmem_shared>> -> memref<10112x128xf32, #tpu.memory_space<vmem_shared>>
      tpu.enqueue_indirect_dma source(%arg9 : memref<128x128xf32, #tpu.memory_space<vmem>>) target(%dma_start3A_54 : memref<10112x128xf32, #tpu.memory_space<vmem_shared>>) offsets(%dma_start3A_51 : memref<128xi32, #tpu.memory_space<vmem>>) semaphore(%arg14 : memref<!tpu.dma_semaphore, #tpu.memory_space<semaphore_mem>>) {add = true}
      %dma_wait3A_55 = arith.constant 1 : i32
      %dma_wait3A_56 = arith.constant 0 : i32
      %dma_wait3A_57 = tpu.memref_slice %arg7[%dma_wait3A_55, %dma_wait3A_56] : memref<8x128xi32, #tpu.memory_space<vmem>> -> memref<1x128xi32, #tpu.memory_space<vmem>>
      %dma_wait3A_58 = tpu.memref_squeeze %dma_wait3A_57 : memref<1x128xi32, #tpu.memory_space<vmem>> -> memref<128xi32, #tpu.memory_space<vmem>>
      %dma_wait3A_59 = arith.constant 0 : i32
      %dma_wait3A_60 = arith.constant 0 : i32
      %dma_wait3A_61 = tpu.memref_slice %arg2[%dma_wait3A_59, %dma_wait3A_60] : memref<20000x128xf32, #tpu.memory_space<hbm>> -> memref<20000x128xf32, #tpu.memory_space<hbm>>
      tpu.wait_indirect_dma semaphore(%arg13 : memref<!tpu.dma_semaphore, #tpu.memory_space<semaphore_mem>>) src(%dma_wait3A_61 : memref<20000x128xf32, #tpu.memory_space<hbm>>) dst(%arg10 : memref<128x128xf32, #tpu.memory_space<vmem>>)
      %dma_wait3A_62 = arith.constant 0 : i32
      %dma_wait3A_63 = arith.constant 0 : i32
      %dma_wait3A_64 = tpu.memref_slice %arg8[%dma_wait3A_62, %dma_wait3A_63] : memref<8x128xi32, #tpu.memory_space<vmem>> -> memref<1x128xi32, #tpu.memory_space<vmem>>
      %dma_wait3A_65 = tpu.memref_squeeze %dma_wait3A_64 : memref<1x128xi32, #tpu.memory_space<vmem>> -> memref<128xi32, #tpu.memory_space<vmem>>
      %dma_wait3A_66 = arith.constant 0 : i32
      %dma_wait3A_67 = arith.constant 0 : i32
      %dma_wait3A_68 = tpu.memref_slice %arg12[%dma_wait3A_66, %dma_wait3A_67] : memref<10112x128xf32, #tpu.memory_space<vmem_shared>> -> memref<10112x128xf32, #tpu.memory_space<vmem_shared>>
      tpu.wait_indirect_dma semaphore(%arg14 : memref<!tpu.dma_semaphore, #tpu.memory_space<semaphore_mem>>) src(%arg9 : memref<128x128xf32, #tpu.memory_space<vmem>>) dst(%dma_wait3A_68 : memref<10112x128xf32, #tpu.memory_space<vmem_shared>>)
      %dma_start3A_69 = arith.constant 2 : i32
      %dma_start3A_70 = arith.constant 0 : i32
      %dma_start3A_71 = tpu.memref_slice %arg7[%dma_start3A_69, %dma_start3A_70] : memref<8x128xi32, #tpu.memory_space<vmem>> -> memref<1x128xi32, #tpu.memory_space<vmem>>
      %dma_start3A_72 = tpu.memref_squeeze %dma_start3A_71 : memref<1x128xi32, #tpu.memory_space<vmem>> -> memref<128xi32, #tpu.memory_space<vmem>>
      %dma_start3A_73 = arith.constant 0 : i32
      %dma_start3A_74 = arith.constant 0 : i32
      %dma_start3A_75 = tpu.memref_slice %arg2[%dma_start3A_73, %dma_start3A_74] : memref<20000x128xf32, #tpu.memory_space<hbm>> -> memref<20000x128xf32, #tpu.memory_space<hbm>>
      tpu.enqueue_indirect_dma source(%dma_start3A_75 : memref<20000x128xf32, #tpu.memory_space<hbm>>) target(%arg9 : memref<128x128xf32, #tpu.memory_space<vmem>>) offsets(%dma_start3A_72 : memref<128xi32, #tpu.memory_space<vmem>>) semaphore(%arg13 : memref<!tpu.dma_semaphore, #tpu.memory_space<semaphore_mem>>)
      %dma_start3A_76 = arith.constant 1 : i32
      %dma_start3A_77 = arith.constant 0 : i32
      %dma_start3A_78 = tpu.memref_slice %arg8[%dma_start3A_76, %dma_start3A_77] : memref<8x128xi32, #tpu.memory_space<vmem>> -> memref<1x128xi32, #tpu.memory_space<vmem>>
      %dma_start3A_79 = tpu.memref_squeeze %dma_start3A_78 : memref<1x128xi32, #tpu.memory_space<vmem>> -> memref<128xi32, #tpu.memory_space<vmem>>
      %dma_start3A_80 = arith.constant 0 : i32
      %dma_start3A_81 = arith.constant 0 : i32
      %dma_start3A_82 = tpu.memref_slice %arg12[%dma_start3A_80, %dma_start3A_81] : memref<10112x128xf32, #tpu.memory_space<vmem_shared>> -> memref<10112x128xf32, #tpu.memory_space<vmem_shared>>
      tpu.enqueue_indirect_dma source(%arg10 : memref<128x128xf32, #tpu.memory_space<vmem>>) target(%dma_start3A_82 : memref<10112x128xf32, #tpu.memory_space<vmem_shared>>) offsets(%dma_start3A_79 : memref<128xi32, #tpu.memory_space<vmem>>) semaphore(%arg14 : memref<!tpu.dma_semaphore, #tpu.memory_space<semaphore_mem>>) {add = true}
      %dma_wait3A_83 = arith.constant 2 : i32
      %dma_wait3A_84 = arith.constant 0 : i32
      %dma_wait3A_85 = tpu.memref_slice %arg7[%dma_wait3A_83, %dma_wait3A_84] : memref<8x128xi32, #tpu.memory_space<vmem>> -> memref<1x128xi32, #tpu.memory_space<vmem>>
      %dma_wait3A_86 = tpu.memref_squeeze %dma_wait3A_85 : memref<1x128xi32, #tpu.memory_space<vmem>> -> memref<128xi32, #tpu.memory_space<vmem>>
      %dma_wait3A_87 = arith.constant 0 : i32
      %dma_wait3A_88 = arith.constant 0 : i32
      %dma_wait3A_89 = tpu.memref_slice %arg2[%dma_wait3A_87, %dma_wait3A_88] : memref<20000x128xf32, #tpu.memory_space<hbm>> -> memref<20000x128xf32, #tpu.memory_space<hbm>>
      tpu.wait_indirect_dma semaphore(%arg13 : memref<!tpu.dma_semaphore, #tpu.memory_space<semaphore_mem>>) src(%dma_wait3A_89 : memref<20000x128xf32, #tpu.memory_space<hbm>>) dst(%arg9 : memref<128x128xf32, #tpu.memory_space<vmem>>)
      %dma_wait3A_90 = arith.constant 1 : i32
      %dma_wait3A_91 = arith.constant 0 : i32
      %dma_wait3A_92 = tpu.memref_slice %arg8[%dma_wait3A_90, %dma_wait3A_91] : memref<8x128xi32, #tpu.memory_space<vmem>> -> memref<1x128xi32, #tpu.memory_space<vmem>>
      %dma_wait3A_93 = tpu.memref_squeeze %dma_wait3A_92 : memref<1x128xi32, #tpu.memory_space<vmem>> -> memref<128xi32, #tpu.memory_space<vmem>>
      %dma_wait3A_94 = arith.constant 0 : i32
      %dma_wait3A_95 = arith.constant 0 : i32
      %dma_wait3A_96 = tpu.memref_slice %arg12[%dma_wait3A_94, %dma_wait3A_95] : memref<10112x128xf32, #tpu.memory_space<vmem_shared>> -> memref<10112x128xf32, #tpu.memory_space<vmem_shared>>
      tpu.wait_indirect_dma semaphore(%arg14 : memref<!tpu.dma_semaphore, #tpu.memory_space<semaphore_mem>>) src(%arg10 : memref<128x128xf32, #tpu.memory_space<vmem>>) dst(%dma_wait3A_96 : memref<10112x128xf32, #tpu.memory_space<vmem_shared>>)
      %dma_start3A_97 = arith.constant 3 : i32
      %dma_start3A_98 = arith.constant 0 : i32
      %dma_start3A_99 = tpu.memref_slice %arg7[%dma_start3A_97, %dma_start3A_98] : memref<8x128xi32, #tpu.memory_space<vmem>> -> memref<1x128xi32, #tpu.memory_space<vmem>>
      %dma_start3A_100 = tpu.memref_squeeze %dma_start3A_99 : memref<1x128xi32, #tpu.memory_space<vmem>> -> memref<128xi32, #tpu.memory_space<vmem>>
      %dma_start3A_101 = arith.constant 0 : i32
      %dma_start3A_102 = arith.constant 0 : i32
      %dma_start3A_103 = tpu.memref_slice %arg2[%dma_start3A_101, %dma_start3A_102] : memref<20000x128xf32, #tpu.memory_space<hbm>> -> memref<20000x128xf32, #tpu.memory_space<hbm>>
      tpu.enqueue_indirect_dma source(%dma_start3A_103 : memref<20000x128xf32, #tpu.memory_space<hbm>>) target(%arg10 : memref<128x128xf32, #tpu.memory_space<vmem>>) offsets(%dma_start3A_100 : memref<128xi32, #tpu.memory_space<vmem>>) semaphore(%arg13 : memref<!tpu.dma_semaphore, #tpu.memory_space<semaphore_mem>>)
      %dma_start3A_104 = arith.constant 2 : i32
      %dma_start3A_105 = arith.constant 0 : i32
      %dma_start3A_106 = tpu.memref_slice %arg8[%dma_start3A_104, %dma_start3A_105] : memref<8x128xi32, #tpu.memory_space<vmem>> -> memref<1x128xi32, #tpu.memory_space<vmem>>
      %dma_start3A_107 = tpu.memref_squeeze %dma_start3A_106 : memref<1x128xi32, #tpu.memory_space<vmem>> -> memref<128xi32, #tpu.memory_space<vmem>>
      %dma_start3A_108 = arith.constant 0 : i32
      %dma_start3A_109 = arith.constant 0 : i32
      %dma_start3A_110 = tpu.memref_slice %arg12[%dma_start3A_108, %dma_start3A_109] : memref<10112x128xf32, #tpu.memory_space<vmem_shared>> -> memref<10112x128xf32, #tpu.memory_space<vmem_shared>>
      tpu.enqueue_indirect_dma source(%arg9 : memref<128x128xf32, #tpu.memory_space<vmem>>) target(%dma_start3A_110 : memref<10112x128xf32, #tpu.memory_space<vmem_shared>>) offsets(%dma_start3A_107 : memref<128xi32, #tpu.memory_space<vmem>>) semaphore(%arg14 : memref<!tpu.dma_semaphore, #tpu.memory_space<semaphore_mem>>) {add = true}
      %dma_wait3A_111 = arith.constant 3 : i32
      %dma_wait3A_112 = arith.constant 0 : i32
      %dma_wait3A_113 = tpu.memref_slice %arg7[%dma_wait3A_111, %dma_wait3A_112] : memref<8x128xi32, #tpu.memory_space<vmem>> -> memref<1x128xi32, #tpu.memory_space<vmem>>
      %dma_wait3A_114 = tpu.memref_squeeze %dma_wait3A_113 : memref<1x128xi32, #tpu.memory_space<vmem>> -> memref<128xi32, #tpu.memory_space<vmem>>
      %dma_wait3A_115 = arith.constant 0 : i32
      %dma_wait3A_116 = arith.constant 0 : i32
      %dma_wait3A_117 = tpu.memref_slice %arg2[%dma_wait3A_115, %dma_wait3A_116] : memref<20000x128xf32, #tpu.memory_space<hbm>> -> memref<20000x128xf32, #tpu.memory_space<hbm>>
      tpu.wait_indirect_dma semaphore(%arg13 : memref<!tpu.dma_semaphore, #tpu.memory_space<semaphore_mem>>) src(%dma_wait3A_117 : memref<20000x128xf32, #tpu.memory_space<hbm>>) dst(%arg10 : memref<128x128xf32, #tpu.memory_space<vmem>>)
      %dma_wait3A_118 = arith.constant 2 : i32
      %dma_wait3A_119 = arith.constant 0 : i32
      %dma_wait3A_120 = tpu.memref_slice %arg8[%dma_wait3A_118, %dma_wait3A_119] : memref<8x128xi32, #tpu.memory_space<vmem>> -> memref<1x128xi32, #tpu.memory_space<vmem>>
      %dma_wait3A_121 = tpu.memref_squeeze %dma_wait3A_120 : memref<1x128xi32, #tpu.memory_space<vmem>> -> memref<128xi32, #tpu.memory_space<vmem>>
      %dma_wait3A_122 = arith.constant 0 : i32
      %dma_wait3A_123 = arith.constant 0 : i32
      %dma_wait3A_124 = tpu.memref_slice %arg12[%dma_wait3A_122, %dma_wait3A_123] : memref<10112x128xf32, #tpu.memory_space<vmem_shared>> -> memref<10112x128xf32, #tpu.memory_space<vmem_shared>>
      tpu.wait_indirect_dma semaphore(%arg14 : memref<!tpu.dma_semaphore, #tpu.memory_space<semaphore_mem>>) src(%arg9 : memref<128x128xf32, #tpu.memory_space<vmem>>) dst(%dma_wait3A_124 : memref<10112x128xf32, #tpu.memory_space<vmem_shared>>)
      %dma_start3A_125 = arith.constant 4 : i32
      %dma_start3A_126 = arith.constant 0 : i32
      %dma_start3A_127 = tpu.memref_slice %arg7[%dma_start3A_125, %dma_start3A_126] : memref<8x128xi32, #tpu.memory_space<vmem>> -> memref<1x128xi32, #tpu.memory_space<vmem>>
      %dma_start3A_128 = tpu.memref_squeeze %dma_start3A_127 : memref<1x128xi32, #tpu.memory_space<vmem>> -> memref<128xi32, #tpu.memory_space<vmem>>
      %dma_start3A_129 = arith.constant 0 : i32
      %dma_start3A_130 = arith.constant 0 : i32
      %dma_start3A_131 = tpu.memref_slice %arg2[%dma_start3A_129, %dma_start3A_130] : memref<20000x128xf32, #tpu.memory_space<hbm>> -> memref<20000x128xf32, #tpu.memory_space<hbm>>
      tpu.enqueue_indirect_dma source(%dma_start3A_131 : memref<20000x128xf32, #tpu.memory_space<hbm>>) target(%arg9 : memref<128x128xf32, #tpu.memory_space<vmem>>) offsets(%dma_start3A_128 : memref<128xi32, #tpu.memory_space<vmem>>) semaphore(%arg13 : memref<!tpu.dma_semaphore, #tpu.memory_space<semaphore_mem>>)
      %dma_start3A_132 = arith.constant 3 : i32
      %dma_start3A_133 = arith.constant 0 : i32
      %dma_start3A_134 = tpu.memref_slice %arg8[%dma_start3A_132, %dma_start3A_133] : memref<8x128xi32, #tpu.memory_space<vmem>> -> memref<1x128xi32, #tpu.memory_space<vmem>>
      %dma_start3A_135 = tpu.memref_squeeze %dma_start3A_134 : memref<1x128xi32, #tpu.memory_space<vmem>> -> memref<128xi32, #tpu.memory_space<vmem>>
      %dma_start3A_136 = arith.constant 0 : i32
      %dma_start3A_137 = arith.constant 0 : i32
      %dma_start3A_138 = tpu.memref_slice %arg12[%dma_start3A_136, %dma_start3A_137] : memref<10112x128xf32, #tpu.memory_space<vmem_shared>> -> memref<10112x128xf32, #tpu.memory_space<vmem_shared>>
      tpu.enqueue_indirect_dma source(%arg10 : memref<128x128xf32, #tpu.memory_space<vmem>>) target(%dma_start3A_138 : memref<10112x128xf32, #tpu.memory_space<vmem_shared>>) offsets(%dma_start3A_135 : memref<128xi32, #tpu.memory_space<vmem>>) semaphore(%arg14 : memref<!tpu.dma_semaphore, #tpu.memory_space<semaphore_mem>>) {add = true}
      %dma_wait3A_139 = arith.constant 4 : i32
      %dma_wait3A_140 = arith.constant 0 : i32
      %dma_wait3A_141 = tpu.memref_slice %arg7[%dma_wait3A_139, %dma_wait3A_140] : memref<8x128xi32, #tpu.memory_space<vmem>> -> memref<1x128xi32, #tpu.memory_space<vmem>>
      %dma_wait3A_142 = tpu.memref_squeeze %dma_wait3A_141 : memref<1x128xi32, #tpu.memory_space<vmem>> -> memref<128xi32, #tpu.memory_space<vmem>>
      %dma_wait3A_143 = arith.constant 0 : i32
      %dma_wait3A_144 = arith.constant 0 : i32
      %dma_wait3A_145 = tpu.memref_slice %arg2[%dma_wait3A_143, %dma_wait3A_144] : memref<20000x128xf32, #tpu.memory_space<hbm>> -> memref<20000x128xf32, #tpu.memory_space<hbm>>
      tpu.wait_indirect_dma semaphore(%arg13 : memref<!tpu.dma_semaphore, #tpu.memory_space<semaphore_mem>>) src(%dma_wait3A_145 : memref<20000x128xf32, #tpu.memory_space<hbm>>) dst(%arg9 : memref<128x128xf32, #tpu.memory_space<vmem>>)
      %dma_wait3A_146 = arith.constant 3 : i32
      %dma_wait3A_147 = arith.constant 0 : i32
      %dma_wait3A_148 = tpu.memref_slice %arg8[%dma_wait3A_146, %dma_wait3A_147] : memref<8x128xi32, #tpu.memory_space<vmem>> -> memref<1x128xi32, #tpu.memory_space<vmem>>
      %dma_wait3A_149 = tpu.memref_squeeze %dma_wait3A_148 : memref<1x128xi32, #tpu.memory_space<vmem>> -> memref<128xi32, #tpu.memory_space<vmem>>
      %dma_wait3A_150 = arith.constant 0 : i32
      %dma_wait3A_151 = arith.constant 0 : i32
      %dma_wait3A_152 = tpu.memref_slice %arg12[%dma_wait3A_150, %dma_wait3A_151] : memref<10112x128xf32, #tpu.memory_space<vmem_shared>> -> memref<10112x128xf32, #tpu.memory_space<vmem_shared>>
      tpu.wait_indirect_dma semaphore(%arg14 : memref<!tpu.dma_semaphore, #tpu.memory_space<semaphore_mem>>) src(%arg10 : memref<128x128xf32, #tpu.memory_space<vmem>>) dst(%dma_wait3A_152 : memref<10112x128xf32, #tpu.memory_space<vmem_shared>>)
      %dma_start3A_153 = arith.constant 5 : i32
      %dma_start3A_154 = arith.constant 0 : i32
      %dma_start3A_155 = tpu.memref_slice %arg7[%dma_start3A_153, %dma_start3A_154] : memref<8x128xi32, #tpu.memory_space<vmem>> -> memref<1x128xi32, #tpu.memory_space<vmem>>
      %dma_start3A_156 = tpu.memref_squeeze %dma_start3A_155 : memref<1x128xi32, #tpu.memory_space<vmem>> -> memref<128xi32, #tpu.memory_space<vmem>>
      %dma_start3A_157 = arith.constant 0 : i32
      %dma_start3A_158 = arith.constant 0 : i32
      %dma_start3A_159 = tpu.memref_slice %arg2[%dma_start3A_157, %dma_start3A_158] : memref<20000x128xf32, #tpu.memory_space<hbm>> -> memref<20000x128xf32, #tpu.memory_space<hbm>>
      tpu.enqueue_indirect_dma source(%dma_start3A_159 : memref<20000x128xf32, #tpu.memory_space<hbm>>) target(%arg10 : memref<128x128xf32, #tpu.memory_space<vmem>>) offsets(%dma_start3A_156 : memref<128xi32, #tpu.memory_space<vmem>>) semaphore(%arg13 : memref<!tpu.dma_semaphore, #tpu.memory_space<semaphore_mem>>)
      %dma_start3A_160 = arith.constant 4 : i32
      %dma_start3A_161 = arith.constant 0 : i32
      %dma_start3A_162 = tpu.memref_slice %arg8[%dma_start3A_160, %dma_start3A_161] : memref<8x128xi32, #tpu.memory_space<vmem>> -> memref<1x128xi32, #tpu.memory_space<vmem>>
      %dma_start3A_163 = tpu.memref_squeeze %dma_start3A_162 : memref<1x128xi32, #tpu.memory_space<vmem>> -> memref<128xi32, #tpu.memory_space<vmem>>
      %dma_start3A_164 = arith.constant 0 : i32
      %dma_start3A_165 = arith.constant 0 : i32
      %dma_start3A_166 = tpu.memref_slice %arg12[%dma_start3A_164, %dma_start3A_165] : memref<10112x128xf32, #tpu.memory_space<vmem_shared>> -> memref<10112x128xf32, #tpu.memory_space<vmem_shared>>
      tpu.enqueue_indirect_dma source(%arg9 : memref<128x128xf32, #tpu.memory_space<vmem>>) target(%dma_start3A_166 : memref<10112x128xf32, #tpu.memory_space<vmem_shared>>) offsets(%dma_start3A_163 : memref<128xi32, #tpu.memory_space<vmem>>) semaphore(%arg14 : memref<!tpu.dma_semaphore, #tpu.memory_space<semaphore_mem>>) {add = true}
      %dma_wait3A_167 = arith.constant 5 : i32
      %dma_wait3A_168 = arith.constant 0 : i32
      %dma_wait3A_169 = tpu.memref_slice %arg7[%dma_wait3A_167, %dma_wait3A_168] : memref<8x128xi32, #tpu.memory_space<vmem>> -> memref<1x128xi32, #tpu.memory_space<vmem>>
      %dma_wait3A_170 = tpu.memref_squeeze %dma_wait3A_169 : memref<1x128xi32, #tpu.memory_space<vmem>> -> memref<128xi32, #tpu.memory_space<vmem>>
      %dma_wait3A_171 = arith.constant 0 : i32
      %dma_wait3A_172 = arith.constant 0 : i32
      %dma_wait3A_173 = tpu.memref_slice %arg2[%dma_wait3A_171, %dma_wait3A_172] : memref<20000x128xf32, #tpu.memory_space<hbm>> -> memref<20000x128xf32, #tpu.memory_space<hbm>>
      tpu.wait_indirect_dma semaphore(%arg13 : memref<!tpu.dma_semaphore, #tpu.memory_space<semaphore_mem>>) src(%dma_wait3A_173 : memref<20000x128xf32, #tpu.memory_space<hbm>>) dst(%arg10 : memref<128x128xf32, #tpu.memory_space<vmem>>)
      %dma_wait3A_174 = arith.constant 4 : i32
      %dma_wait3A_175 = arith.constant 0 : i32
      %dma_wait3A_176 = tpu.memref_slice %arg8[%dma_wait3A_174, %dma_wait3A_175] : memref<8x128xi32, #tpu.memory_space<vmem>> -> memref<1x128xi32, #tpu.memory_space<vmem>>
      %dma_wait3A_177 = tpu.memref_squeeze %dma_wait3A_176 : memref<1x128xi32, #tpu.memory_space<vmem>> -> memref<128xi32, #tpu.memory_space<vmem>>
      %dma_wait3A_178 = arith.constant 0 : i32
      %dma_wait3A_179 = arith.constant 0 : i32
      %dma_wait3A_180 = tpu.memref_slice %arg12[%dma_wait3A_178, %dma_wait3A_179] : memref<10112x128xf32, #tpu.memory_space<vmem_shared>> -> memref<10112x128xf32, #tpu.memory_space<vmem_shared>>
      tpu.wait_indirect_dma semaphore(%arg14 : memref<!tpu.dma_semaphore, #tpu.memory_space<semaphore_mem>>) src(%arg9 : memref<128x128xf32, #tpu.memory_space<vmem>>) dst(%dma_wait3A_180 : memref<10112x128xf32, #tpu.memory_space<vmem_shared>>)
      %dma_start3A_181 = arith.constant 6 : i32
      %dma_start3A_182 = arith.constant 0 : i32
      %dma_start3A_183 = tpu.memref_slice %arg7[%dma_start3A_181, %dma_start3A_182] : memref<8x128xi32, #tpu.memory_space<vmem>> -> memref<1x128xi32, #tpu.memory_space<vmem>>
      %dma_start3A_184 = tpu.memref_squeeze %dma_start3A_183 : memref<1x128xi32, #tpu.memory_space<vmem>> -> memref<128xi32, #tpu.memory_space<vmem>>
      %dma_start3A_185 = arith.constant 0 : i32
      %dma_start3A_186 = arith.constant 0 : i32
      %dma_start3A_187 = tpu.memref_slice %arg2[%dma_start3A_185, %dma_start3A_186] : memref<20000x128xf32, #tpu.memory_space<hbm>> -> memref<20000x128xf32, #tpu.memory_space<hbm>>
      tpu.enqueue_indirect_dma source(%dma_start3A_187 : memref<20000x128xf32, #tpu.memory_space<hbm>>) target(%arg9 : memref<128x128xf32, #tpu.memory_space<vmem>>) offsets(%dma_start3A_184 : memref<128xi32, #tpu.memory_space<vmem>>) semaphore(%arg13 : memref<!tpu.dma_semaphore, #tpu.memory_space<semaphore_mem>>)
      %dma_start3A_188 = arith.constant 5 : i32
      %dma_start3A_189 = arith.constant 0 : i32
      %dma_start3A_190 = tpu.memref_slice %arg8[%dma_start3A_188, %dma_start3A_189] : memref<8x128xi32, #tpu.memory_space<vmem>> -> memref<1x128xi32, #tpu.memory_space<vmem>>
      %dma_start3A_191 = tpu.memref_squeeze %dma_start3A_190 : memref<1x128xi32, #tpu.memory_space<vmem>> -> memref<128xi32, #tpu.memory_space<vmem>>
      %dma_start3A_192 = arith.constant 0 : i32
      %dma_start3A_193 = arith.constant 0 : i32
      %dma_start3A_194 = tpu.memref_slice %arg12[%dma_start3A_192, %dma_start3A_193] : memref<10112x128xf32, #tpu.memory_space<vmem_shared>> -> memref<10112x128xf32, #tpu.memory_space<vmem_shared>>
      tpu.enqueue_indirect_dma source(%arg10 : memref<128x128xf32, #tpu.memory_space<vmem>>) target(%dma_start3A_194 : memref<10112x128xf32, #tpu.memory_space<vmem_shared>>) offsets(%dma_start3A_191 : memref<128xi32, #tpu.memory_space<vmem>>) semaphore(%arg14 : memref<!tpu.dma_semaphore, #tpu.memory_space<semaphore_mem>>) {add = true}
      %dma_wait3A_195 = arith.constant 6 : i32
      %dma_wait3A_196 = arith.constant 0 : i32
      %dma_wait3A_197 = tpu.memref_slice %arg7[%dma_wait3A_195, %dma_wait3A_196] : memref<8x128xi32, #tpu.memory_space<vmem>> -> memref<1x128xi32, #tpu.memory_space<vmem>>
      %dma_wait3A_198 = tpu.memref_squeeze %dma_wait3A_197 : memref<1x128xi32, #tpu.memory_space<vmem>> -> memref<128xi32, #tpu.memory_space<vmem>>
      %dma_wait3A_199 = arith.constant 0 : i32
      %dma_wait3A_200 = arith.constant 0 : i32
      %dma_wait3A_201 = tpu.memref_slice %arg2[%dma_wait3A_199, %dma_wait3A_200] : memref<20000x128xf32, #tpu.memory_space<hbm>> -> memref<20000x128xf32, #tpu.memory_space<hbm>>
      tpu.wait_indirect_dma semaphore(%arg13 : memref<!tpu.dma_semaphore, #tpu.memory_space<semaphore_mem>>) src(%dma_wait3A_201 : memref<20000x128xf32, #tpu.memory_space<hbm>>) dst(%arg9 : memref<128x128xf32, #tpu.memory_space<vmem>>)
      %dma_wait3A_202 = arith.constant 5 : i32
      %dma_wait3A_203 = arith.constant 0 : i32
      %dma_wait3A_204 = tpu.memref_slice %arg8[%dma_wait3A_202, %dma_wait3A_203] : memref<8x128xi32, #tpu.memory_space<vmem>> -> memref<1x128xi32, #tpu.memory_space<vmem>>
      %dma_wait3A_205 = tpu.memref_squeeze %dma_wait3A_204 : memref<1x128xi32, #tpu.memory_space<vmem>> -> memref<128xi32, #tpu.memory_space<vmem>>
      %dma_wait3A_206 = arith.constant 0 : i32
      %dma_wait3A_207 = arith.constant 0 : i32
      %dma_wait3A_208 = tpu.memref_slice %arg12[%dma_wait3A_206, %dma_wait3A_207] : memref<10112x128xf32, #tpu.memory_space<vmem_shared>> -> memref<10112x128xf32, #tpu.memory_space<vmem_shared>>
      tpu.wait_indirect_dma semaphore(%arg14 : memref<!tpu.dma_semaphore, #tpu.memory_space<semaphore_mem>>) src(%arg10 : memref<128x128xf32, #tpu.memory_space<vmem>>) dst(%dma_wait3A_208 : memref<10112x128xf32, #tpu.memory_space<vmem_shared>>)
      %dma_start3A_209 = arith.constant 7 : i32
      %dma_start3A_210 = arith.constant 0 : i32
      %dma_start3A_211 = tpu.memref_slice %arg7[%dma_start3A_209, %dma_start3A_210] : memref<8x128xi32, #tpu.memory_space<vmem>> -> memref<1x128xi32, #tpu.memory_space<vmem>>
      %dma_start3A_212 = tpu.memref_squeeze %dma_start3A_211 : memref<1x128xi32, #tpu.memory_space<vmem>> -> memref<128xi32, #tpu.memory_space<vmem>>
      %dma_start3A_213 = arith.constant 0 : i32
      %dma_start3A_214 = arith.constant 0 : i32
      %dma_start3A_215 = tpu.memref_slice %arg2[%dma_start3A_213, %dma_start3A_214] : memref<20000x128xf32, #tpu.memory_space<hbm>> -> memref<20000x128xf32, #tpu.memory_space<hbm>>
      tpu.enqueue_indirect_dma source(%dma_start3A_215 : memref<20000x128xf32, #tpu.memory_space<hbm>>) target(%arg10 : memref<128x128xf32, #tpu.memory_space<vmem>>) offsets(%dma_start3A_212 : memref<128xi32, #tpu.memory_space<vmem>>) semaphore(%arg13 : memref<!tpu.dma_semaphore, #tpu.memory_space<semaphore_mem>>)
      %dma_start3A_216 = arith.constant 6 : i32
      %dma_start3A_217 = arith.constant 0 : i32
      %dma_start3A_218 = tpu.memref_slice %arg8[%dma_start3A_216, %dma_start3A_217] : memref<8x128xi32, #tpu.memory_space<vmem>> -> memref<1x128xi32, #tpu.memory_space<vmem>>
      %dma_start3A_219 = tpu.memref_squeeze %dma_start3A_218 : memref<1x128xi32, #tpu.memory_space<vmem>> -> memref<128xi32, #tpu.memory_space<vmem>>
      %dma_start3A_220 = arith.constant 0 : i32
      %dma_start3A_221 = arith.constant 0 : i32
      %dma_start3A_222 = tpu.memref_slice %arg12[%dma_start3A_220, %dma_start3A_221] : memref<10112x128xf32, #tpu.memory_space<vmem_shared>> -> memref<10112x128xf32, #tpu.memory_space<vmem_shared>>
      tpu.enqueue_indirect_dma source(%arg9 : memref<128x128xf32, #tpu.memory_space<vmem>>) target(%dma_start3A_222 : memref<10112x128xf32, #tpu.memory_space<vmem_shared>>) offsets(%dma_start3A_219 : memref<128xi32, #tpu.memory_space<vmem>>) semaphore(%arg14 : memref<!tpu.dma_semaphore, #tpu.memory_space<semaphore_mem>>) {add = true}
      %dma_wait3A_223 = arith.constant 7 : i32
      %dma_wait3A_224 = arith.constant 0 : i32
      %dma_wait3A_225 = tpu.memref_slice %arg7[%dma_wait3A_223, %dma_wait3A_224] : memref<8x128xi32, #tpu.memory_space<vmem>> -> memref<1x128xi32, #tpu.memory_space<vmem>>
      %dma_wait3A_226 = tpu.memref_squeeze %dma_wait3A_225 : memref<1x128xi32, #tpu.memory_space<vmem>> -> memref<128xi32, #tpu.memory_space<vmem>>
      %dma_wait3A_227 = arith.constant 0 : i32
      %dma_wait3A_228 = arith.constant 0 : i32
      %dma_wait3A_229 = tpu.memref_slice %arg2[%dma_wait3A_227, %dma_wait3A_228] : memref<20000x128xf32, #tpu.memory_space<hbm>> -> memref<20000x128xf32, #tpu.memory_space<hbm>>
      tpu.wait_indirect_dma semaphore(%arg13 : memref<!tpu.dma_semaphore, #tpu.memory_space<semaphore_mem>>) src(%dma_wait3A_229 : memref<20000x128xf32, #tpu.memory_space<hbm>>) dst(%arg10 : memref<128x128xf32, #tpu.memory_space<vmem>>)
      %dma_start3A_230 = arith.constant 7 : i32
      %dma_start3A_231 = arith.constant 0 : i32
      %dma_start3A_232 = tpu.memref_slice %arg8[%dma_start3A_230, %dma_start3A_231] : memref<8x128xi32, #tpu.memory_space<vmem>> -> memref<1x128xi32, #tpu.memory_space<vmem>>
      %dma_start3A_233 = tpu.memref_squeeze %dma_start3A_232 : memref<1x128xi32, #tpu.memory_space<vmem>> -> memref<128xi32, #tpu.memory_space<vmem>>
      %dma_start3A_234 = arith.constant 0 : i32
      %dma_start3A_235 = arith.constant 0 : i32
      %dma_start3A_236 = tpu.memref_slice %arg12[%dma_start3A_234, %dma_start3A_235] : memref<10112x128xf32, #tpu.memory_space<vmem_shared>> -> memref<10112x128xf32, #tpu.memory_space<vmem_shared>>
      tpu.enqueue_indirect_dma source(%arg10 : memref<128x128xf32, #tpu.memory_space<vmem>>) target(%dma_start3A_236 : memref<10112x128xf32, #tpu.memory_space<vmem_shared>>) offsets(%dma_start3A_233 : memref<128xi32, #tpu.memory_space<vmem>>) semaphore(%arg14 : memref<!tpu.dma_semaphore, #tpu.memory_space<semaphore_mem>>) {add = true}
      %dma_wait3A_237 = arith.constant 6 : i32
      %dma_wait3A_238 = arith.constant 0 : i32
      %dma_wait3A_239 = tpu.memref_slice %arg8[%dma_wait3A_237, %dma_wait3A_238] : memref<8x128xi32, #tpu.memory_space<vmem>> -> memref<1x128xi32, #tpu.memory_space<vmem>>
      %dma_wait3A_240 = tpu.memref_squeeze %dma_wait3A_239 : memref<1x128xi32, #tpu.memory_space<vmem>> -> memref<128xi32, #tpu.memory_space<vmem>>
      %dma_wait3A_241 = arith.constant 0 : i32
      %dma_wait3A_242 = arith.constant 0 : i32
      %dma_wait3A_243 = tpu.memref_slice %arg12[%dma_wait3A_241, %dma_wait3A_242] : memref<10112x128xf32, #tpu.memory_space<vmem_shared>> -> memref<10112x128xf32, #tpu.memory_space<vmem_shared>>
      tpu.wait_indirect_dma semaphore(%arg14 : memref<!tpu.dma_semaphore, #tpu.memory_space<semaphore_mem>>) src(%arg9 : memref<128x128xf32, #tpu.memory_space<vmem>>) dst(%dma_wait3A_243 : memref<10112x128xf32, #tpu.memory_space<vmem_shared>>)
      %dma_wait3A_244 = arith.constant 7 : i32
      %dma_wait3A_245 = arith.constant 0 : i32
      %dma_wait3A_246 = tpu.memref_slice %arg8[%dma_wait3A_244, %dma_wait3A_245] : memref<8x128xi32, #tpu.memory_space<vmem>> -> memref<1x128xi32, #tpu.memory_space<vmem>>
      %dma_wait3A_247 = tpu.memref_squeeze %dma_wait3A_246 : memref<1x128xi32, #tpu.memory_space<vmem>> -> memref<128xi32, #tpu.memory_space<vmem>>
      %dma_wait3A_248 = arith.constant 0 : i32
      %dma_wait3A_249 = arith.constant 0 : i32
      %dma_wait3A_250 = tpu.memref_slice %arg12[%dma_wait3A_248, %dma_wait3A_249] : memref<10112x128xf32, #tpu.memory_space<vmem_shared>> -> memref<10112x128xf32, #tpu.memory_space<vmem_shared>>
      tpu.wait_indirect_dma semaphore(%arg14 : memref<!tpu.dma_semaphore, #tpu.memory_space<semaphore_mem>>) src(%arg10 : memref<128x128xf32, #tpu.memory_space<vmem>>) dst(%dma_wait3A_250 : memref<10112x128xf32, #tpu.memory_space<vmem_shared>>)
    }
    %scan3A_10 = arith.constant 10 : i32
    %barrier3A_11 = arith.constant 0 : index
    tpu.barrier barrier_id(%barrier3A_11)
    %mul3A_12 = arith.constant 10000 : i32
    %mul3A_13 = arith.muli %arg0, %mul3A_12 : i32
    %mul3A_14 = arith.constant 632 : i32
    %mul3A_15 = arith.muli %arg1, %mul3A_14 : i32
    %min3A = arith.constant 9368 : i32
    %min3A_16 = arith.minsi %mul3A_15, %min3A : i32
    %add3A_17 = arith.addi %mul3A_13, %min3A_16 : i32
    "tpu.region"() ({
      %run_scoped3A = tpu.sem_alloc : memref<!tpu.dma_semaphore, #tpu.memory_space<semaphore_mem>>
      %dma_start3A = arith.constant 0 : i32
      %dma_start3A_18 = tpu.memref_slice %arg6[%add3A_17, %dma_start3A] : memref<20000x128xf32, #tpu.memory_space<hbm>> -> memref<632x128xf32, #tpu.memory_space<hbm>>
      %dma_start3A_19 = arith.constant 0 : i32
      %dma_start3A_20 = tpu.memref_slice %arg12[%min3A_16, %dma_start3A_19] : memref<10112x128xf32, #tpu.memory_space<vmem_shared>> -> memref<632x128xf32, #tpu.memory_space<vmem_shared>>
      tpu.enqueue_dma source(%dma_start3A_20 : memref<632x128xf32, #tpu.memory_space<vmem_shared>>) target(%dma_start3A_18 : memref<632x128xf32, #tpu.memory_space<hbm>>) target_semaphore(%run_scoped3A : memref<!tpu.dma_semaphore, #tpu.memory_space<semaphore_mem>>)
      %dma_wait3A = arith.constant 0 : i32
      %dma_wait3A_21 = tpu.memref_slice %arg6[%add3A_17, %dma_wait3A] : memref<20000x128xf32, #tpu.memory_space<hbm>> -> memref<632x128xf32, #tpu.memory_space<hbm>>
      %dma_wait3A_22 = arith.constant 0 : i32
      %dma_wait3A_23 = tpu.memref_slice %arg12[%min3A_16, %dma_wait3A_22] : memref<10112x128xf32, #tpu.memory_space<vmem_shared>> -> memref<632x128xf32, #tpu.memory_space<vmem_shared>>
      tpu.wait_dma2 semaphore(%run_scoped3A : memref<!tpu.dma_semaphore, #tpu.memory_space<semaphore_mem>>) src(%dma_wait3A_23 : memref<632x128xf32, #tpu.memory_space<vmem_shared>>) dst(%dma_wait3A_21 : memref<632x128xf32, #tpu.memory_space<hbm>>)
      tpu.yield
    }) : () -> ()
    return
  }
}

module attributes {stable_mosaic.version = 14 : i64} {
  func.func @_divide_body(%arg0: i32, %arg1: memref<1000x128xf32, #tpu.memory_space<vmem>>, %arg2: memref<1000x128xf32, #tpu.memory_space<vmem>>, %arg3: memref<1000x128xf32, #tpu.memory_space<vmem>>, %arg4: memref<1000x128xf32, #tpu.memory_space<vmem>>, %arg5: memref<1000x256xf32, #tpu.memory_space<vmem>>) attributes {dimension_semantics = [#tpu.dimension_semantics<arbitrary>], iteration_bounds = array<i64: 10>, scalar_prefetch = 0 : i64, scratch_operands = 0 : i64, tpu.core_type = #tpu.core_type<tc>, window_params = [{transform_indices = @transform_0, window_bounds = array<i64: 1000, 128>}, {transform_indices = @transform_1, window_bounds = array<i64: 1000, 128>}, {transform_indices = @transform_2, window_bounds = array<i64: 1000, 128>}, {transform_indices = @transform_3, window_bounds = array<i64: 1000, 128>}, {transform_indices = @transform_4, window_bounds = array<i64: 1000, 256>}]} {
    %get3A = arith.constant 0 : index
    %get3A_0 = arith.constant 0 : index
    %get3A_1 = vector.load %arg3[%get3A, %get3A_0] : memref<1000x128xf32, #tpu.memory_space<vmem>>, vector<1000x1xf32>
    %get3A_2 = arith.constant 0 : index
    %get3A_3 = arith.constant 0 : index
    %get3A_4 = vector.load %arg4[%get3A_2, %get3A_3] : memref<1000x128xf32, #tpu.memory_space<vmem>>, vector<1000x1xf32>
    %add3A = arith.addf %get3A_1, %get3A_4 : vector<1000x1xf32>
    %eq3A = arith.constant 0.000000e+00 : f32
    %eq3A_5 = vector.broadcast %eq3A : f32 to vector<1000x1xf32>
    %eq3A_6 = arith.cmpf oeq, %add3A, %eq3A_5 : vector<1000x1xf32>
    %jit3A = arith.constant 1.000000e+00 : f32
    %broadcast_in_dim3A = vector.broadcast %jit3A : f32 to vector<1000x1xf32>
    %select_n3A = arith.select %eq3A_6, %broadcast_in_dim3A, %add3A : vector<1000x1xi1>, vector<1000x1xf32>
    %get3A_7 = arith.constant 0 : index
    %get3A_8 = arith.constant 0 : index
    %get3A_9 = vector.load %arg1[%get3A_7, %get3A_8] : memref<1000x128xf32, #tpu.memory_space<vmem>>, vector<1000x128xf32>
    %div3A = vector.broadcast %select_n3A : vector<1000x1xf32> to vector<1000x128xf32>
    %div3A_10 = arith.divf %get3A_9, %div3A : vector<1000x128xf32>
    %swap3A = arith.constant 0 : index
    %swap3A_11 = arith.constant 0 : index
    %swap3A_12 = vector.load %arg5[%swap3A, %swap3A_11] : memref<1000x256xf32, #tpu.memory_space<vmem>>, vector<1000x128xf32>
    tpu.vector_store %arg5[%swap3A, %swap3A_11], %div3A_10 {strides = array<i32>} : memref<1000x256xf32, #tpu.memory_space<vmem>>, vector<1000x128xf32>,
    %get3A_13 = arith.constant 0 : index
    %get3A_14 = arith.constant 0 : index
    %get3A_15 = vector.load %arg2[%get3A_13, %get3A_14] : memref<1000x128xf32, #tpu.memory_space<vmem>>, vector<1000x128xf32>
    %div3A_16 = vector.broadcast %select_n3A : vector<1000x1xf32> to vector<1000x128xf32>
    %div3A_17 = arith.divf %get3A_15, %div3A_16 : vector<1000x128xf32>
    %swap3A_18 = arith.constant 0 : index
    %swap3A_19 = arith.constant 128 : index
    %swap3A_20 = vector.load %arg5[%swap3A_18, %swap3A_19] : memref<1000x256xf32, #tpu.memory_space<vmem>>, vector<1000x128xf32>
    tpu.vector_store %arg5[%swap3A_18, %swap3A_19], %div3A_17 {strides = array<i32>} : memref<1000x256xf32, #tpu.memory_space<vmem>>, vector<1000x128xf32>,
    return
  }
  func.func @transform_0(%arg0: i32) -> (i32, i32) {
    %c0_i32 = arith.constant 0 : i32
    %c0_i32_0 = arith.constant 0 : i32
    return %arg0, %c0_i32 : i32, i32
  }
  func.func @transform_1(%arg0: i32) -> (i32, i32) {
    %add3A = arith.constant 10 : i32
    %add3A_0 = arith.addi %arg0, %add3A : i32
    %c0_i32 = arith.constant 0 : i32
    %c0_i32_1 = arith.constant 0 : i32
    return %add3A_0, %c0_i32 : i32, i32
  }
  func.func @transform_2(%arg0: i32) -> (i32, i32) {
    %c0_i32 = arith.constant 0 : i32
    %c0_i32_0 = arith.constant 0 : i32
    return %arg0, %c0_i32 : i32, i32
  }
  func.func @transform_3(%arg0: i32) -> (i32, i32) {
    %add3A = arith.constant 10 : i32
    %add3A_0 = arith.addi %arg0, %add3A : i32
    %c0_i32 = arith.constant 0 : i32
    %c0_i32_1 = arith.constant 0 : i32
    return %add3A_0, %c0_i32 : i32, i32
  }
  func.func @transform_4(%arg0: i32) -> (i32, i32) {
    %c0_i32 = arith.constant 0 : i32
    %c0_i32_0 = arith.constant 0 : i32
    return %arg0, %c0_i32 : i32, i32
  }
}

</mosaic_0001>

<sc_bundles>
// kernel: kernel.5.cloned.1.call-start
scs
__scs_entry_jumppad:
0x0: {  	(pc) =	sbr.rel $0x88, $3  }
0x1: {  	(tag) =	ssettag $0x0;
	lr =	simm.s32 $0x1  }
0x2: {  	[smem:$0x3F9F] =	sst lr;
	_ =	strace $0xD0000000  }
0x3: {  	_ = 	snop  }
0x4: {  	_ = 	snop  }
0x5: {  	_ = 	snop  }
0x6: {  	_ = 	snop  }
0x7: {  	_ = 	snop  }
__scs_overlays_trampoline_lowered:
0x8: {  	[smem:$0x3FAE] =	sst s0  }
0x9: {  	[smem:$0x3FAF] =	sst s1  }
0xa: {  	[smem:$0x3FB0] =	sst s2  }
0xb: {  	[smem:$0x3FB1] =	sst s3  }
0xc: {  	[smem:$0x3FB2] =	sst s4  }
0xd: {  	[smem:$0x3FB3] =	sst s5  }
0xe: {  	[smem:$0x3FB4] =	sst s6  }
0xf: {  	[smem:$0x3FB5] =	sst s7  }
0x10: {  	[smem:$0x3FB6] =	sst s8  }
0x11: {  	[smem:$0x3FB7] =	sst s9;
	s0 =	simm.s32 @!p0 $0x0  }
0x12: {  	s1 =	sld [smem:$0x3F9D];
	s0 =	simm.s32 @p0 $0x1  }
0x13: {  	[smem:$0x3FB8] =	sst s0;
	s0 =	simm.s32 @!p1 $0x0  }
0x14: {  	s2 =	sld [smem:$0x3F9C];
	s0 =	simm.s32 @p1 $0x1  }
0x15: {  	[smem:$0x3FB9] =	sst s0;
	s0 =	simm.s32 @!p2 $0x0  }
0x16: {  	s3 =	sld [smem:$0x3FDB];
	s0 =	simm.s32 @p2 $0x1  }
0x17: {  	s4 =	simm.s32 $0x1BF5;
	[smem:$0x3FBB] =	sst s0  }
0x18: {  	s0 =	sld [smem:$0x3F9E];
	_ =	swait.ge [sflag:s4], $0x0  }
0x19: {  	s7 =	sld [smem:$0x3F9F]  }
0x1a: {  	s8 =	sadd.s32 $0xFFFFE003, lr  }
0x1b: {  	s9 =	sadd.s32 $0xFFFFFEF7, lr;
	s5 =	simm.s32 $0xFFFFFFFF;
	p2 =	slt.u32 s8, $0xFFFFF086  }
0x1c: {  	p1 =	slt.u32 s9, $0xF7A;
	s5 =	simm.s32 @!p2 $0x0  }
0x1d: {  	s5 =	simm.s32 @p1 $0x1;
	p0 =	seq.s32 s7, s2  }
0x1e: {  	s7 =	smul.u32 @!p0 $0xF7A, s2;
	p2 =	seq.s32 @!p0 s5, $0x0  }
0x1f: {  	s9 =	smul.u32 $0xF7A, s1;
	s8 =	simm.s32 @!p0 $0x1BF5;
	p2 =	por !p2, p0  }
0x20: {  	[sflag:s8] =	ssyncset.s32 @!p0 $0xFFFFF086;
	s6 =	sadd.s32 @!p0 s3, s7;
	s7 =	simm.s32 @!p0 $0x108  }
0x21: {  	s3 =	sadd.s32 s3, s9;
	s6 =	sadd.s32 @!p0 $0x88, s6;
	s7 =	simm.s32 @p2 $0x1082  }
0x22: {  	[simem:s7], [sflag:s8] =	dma.local @!p0 [hbm:s6], $0xF7A  }
0x23: {  	s9 =	sor.u32 $0xD0000000, s2;
	s6 =	simm.s32 $0x108;
	_ =	swait.ge @!p0 [sflag:s8], $0x0  }
0x24: {  	s3 =	sadd.s32 $0x88, s3;
	s6 =	simm.s32 @!p1 $0x1082;
	[sflag:s4] =	ssyncset.s32 $0xFFFFF086  }
0x25: {  	[simem:s6], [sflag:s4] =	dma.local [hbm:s3], $0xF7A  }
0x26: {  	[smem:$0x3F9F] =	sst s1;
	(tag) =	ssettag s2;
	_ =	strace s9  }
0x27: {  	s1 =	sld [smem:$0x3FAF]  }
0x28: {  	s2 =	sld [smem:$0x3FB0]  }
0x29: {  	s4 =	sld [smem:$0x3FB2]  }
0x2a: {  	p0 =	seq.s32 s5, $0x0;
	s5 =	sld [smem:$0x3FB3]  }
0x2b: {  	s6 =	sld [smem:$0x3FB4]  }
0x2c: {  	s7 =	sld [smem:$0x3FB5]  }
0x2d: {  	s3 =	simm.s32 $0x108;
	s8 =	sld [smem:$0x3FB6]  }
0x2e: {  	s3 =	simm.s32 @!p0 $0x1082;
	s9 =	sld [smem:$0x3FB7]  }
0x2f: {  	lr =	sadd.s32 s0, s3;
	s0 =	sld [smem:$0x3FAE]  }
0x30: {  	s3 =	sld [smem:$0x3FB1]  }
0x31: {  	[smem:$0x3FBA] =	sst s10  }
0x32: {  	s10 =	sld [smem:$0x3FB8];
	_ =	sdelay $0x3  }
0x33: {  	p0 =	seq.s32 s10, $0x1;
	s10 =	sld [smem:$0x3FBA];
	_ =	sdelay $0x3  }
0x34: {  	[smem:$0x3FBA] =	sst s10  }
0x35: {  	s10 =	sld [smem:$0x3FB9];
	_ =	sdelay $0x3  }
0x36: {  	p1 =	seq.s32 s10, $0x1;
	s10 =	sld [smem:$0x3FBA];
	_ =	sdelay $0x3  }
0x37: {  	[smem:$0x3FBA] =	sst s10  }
0x38: {  	s10 =	sld [smem:$0x3FBB]  }
0x39: {  	_ = 	snop;
	(pc) =	sbr.ind lr, $3  }
0x3a: {  	_ = 	snop  }
0x3b: {  	_ = 	snop  }
0x3c: {  	p2 =	seq.s32 s10, $0x1;
	s10 =	sld [smem:$0x3FBA]  }
0x3d: {  	_ =	shalt  }
0x3e: {  	_ =	shalt  }
0x3f: {  	_ =	shalt  }
0x40: {  	_ =	shalt  }
0x41: {  	_ =	shalt  }
0x42: {  	_ =	shalt  }
0x43: {  	_ =	shalt  }
0x44: {  	_ =	shalt  }
0x45: {  	_ =	shalt  }
0x46: {  	_ =	shalt  }
0x47: {  	_ =	shalt  }
0x48: {  	_ =	shalt  }
0x49: {  	_ =	shalt  }
0x4a: {  	_ =	shalt  }
0x4b: {  	_ =	shalt  }
0x4c: {  	_ =	shalt  }
0x4d: {  	_ =	shalt  }
0x4e: {  	_ =	shalt  }
0x4f: {  	_ =	shalt  }
0x50: {  	_ =	shalt  }
0x51: {  	_ =	shalt  }
0x52: {  	_ =	shalt  }
0x53: {  	_ =	shalt  }
0x54: {  	_ =	shalt  }
0x55: {  	_ =	shalt  }
0x56: {  	_ =	shalt  }
0x57: {  	_ =	shalt  }
0x58: {  	_ =	shalt  }
0x59: {  	_ =	shalt  }
0x5a: {  	_ =	shalt  }
0x5b: {  	_ =	shalt  }
0x5c: {  	_ =	shalt  }
0x5d: {  	_ =	shalt  }
0x5e: {  	_ =	shalt  }
0x5f: {  	_ =	shalt  }
0x60: {  	_ =	shalt  }
0x61: {  	_ =	shalt  }
0x62: {  	_ =	shalt  }
0x63: {  	_ =	shalt  }
0x64: {  	_ =	shalt  }
0x65: {  	_ =	shalt  }
0x66: {  	_ =	shalt  }
0x67: {  	_ =	shalt  }
0x68: {  	_ =	shalt  }
0x69: {  	_ =	shalt  }
0x6a: {  	_ =	shalt  }
0x6b: {  	_ =	shalt  }
0x6c: {  	_ =	shalt  }
0x6d: {  	_ =	shalt  }
0x6e: {  	_ =	shalt  }
0x6f: {  	_ =	shalt  }
0x70: {  	_ =	shalt  }
0x71: {  	_ =	shalt  }
0x72: {  	_ =	shalt  }
0x73: {  	_ =	shalt  }
0x74: {  	_ =	shalt  }
0x75: {  	_ =	shalt  }
0x76: {  	_ =	shalt  }
0x77: {  	_ =	shalt  }
0x78: {  	_ =	shalt  }
0x79: {  	_ =	shalt  }
0x7a: {  	_ =	shalt  }
0x7b: {  	_ =	shalt  }
0x7c: {  	_ =	shalt  }
0x7d: {  	_ =	shalt  }
0x7e: {  	_ =	shalt  }
0x7f: {  	_ =	shalt  }
0x80: {  	_ =	shalt  }
0x81: {  	_ =	shalt  }
0x82: {  	_ =	shalt  }
0x83: {  	_ =	shalt  }
0x84: {  	_ =	shalt  }
0x85: {  	_ =	shalt  }
0x86: {  	_ =	shalt  }
0x87: {  	_ =	shalt  }
.Lfunc_end0:
.L_simem_size_0:
called_computation_lowered:
.L_overlay_start_0:
0x88: {  	s2 =	sld [smem:$0x3FD9]  }
0x89: {  	s3 =	sld [smem:$0x3FFE];
	_ =	sdelay $0x1  }
0x8a: {  	s1 =	srdreg.scid  }
0x8b: {  	s0 =	sand.u32 $0x1, s1  }
0x8c: {  	s17 =	sshll.u32 s0, $0xA;
	s2 =	sadd.s32 s3, s2  }
0x8d: {  	s2 =	sadd.s32 s2, s17  }
0x8e: {  	[smem:$0x3FC6] =	sst s2  }
0x8f: {  	_ = 	snop  }
0x90: {  	s2 =	sld [smem:$0x3FD0];
	(tm) =	ssettm $0x1  }
0x91: {  	s18 =	sld [smem:$0x3FFB];
	_ =	sdelay $0x3  }
0x92: {  	_ =	strace s18  }
0x93: {  	s3 =	sld [smem:$0x3FFC];
	_ =	sdelay $0x3  }
0x94: {  	_ =	strace s3  }
0x95: {  	s3 =	sld [smem:$0x3FFD];
	_ =	sdelay $0x3  }
0x96: {  	_ =	strace s3  }
0x97: {  	_ =	strace $0x8FFFFFFF  }
0x98: {  	s19 =	sld [smem:$0x3FDB];
	_ =	sdelay $0x1  }
0x99: {  	s4 =	simm.s32 $_scs_section_size  }
0x9a: {  	s5 =	simm.s32 $_size__tile_overlayer_lowered;
	s6 =	simm.s32 $_tile_overlayer_lowered  }
0x9b: {  	s22 =	simm.s32 $0x1BFF;
	s21 =	sshll.u32 s6, $0x1;
	s3 =	sadd.s32 s4, s19  }
0x9c: {  	s7 =	simm.s32 $0x0;
	s20 =	sshll.u32 s5, $0x1;
	s5 =	sadd.s32 s21, s3  }
0x9d: {  	[timem:s7], [sflag:s22] =	dma.local [hbm:s5], s20  }
0x9e: {  	_ =	swait.ge [sflag:s22], s20  }
0x9f: {  	s4 =	ssub.s32 $0x0, s20;
	[sflag:s22] =	ssyncset.done $0x0  }
0xa0: {  	[sflag:s22] =	ssyncadd.s32 s4;
	_ =	sdelay $0x1  }
0xa1: {  	s23 =	simm.s32 $0x1B8B  }
0xa2: {  	_ =	swait.ge [sflag:s23], $0x1  }
0xa3: {  	[sflag:s23] =	ssyncset.done $0x0  }
0xa4: {  	s25 =	simm.s32 $0x1B8E;
	s24 =	sld [smem:$0x3FFE];
	[sflag:s23] =	ssyncadd.s32 $0xFFFFFFFF  }
0xa5: {  	s26 =	simm.s32 $execute0_lowered;
	[smem:$0x3FD2] =	sst s25  }
0xa6: {  	s5 =	sshll.u32 s26, $0x1;
	_ =	strace $0x80000046;
	[dreg:$0x1] =	wrdreg $0xFFFFFFFF  }
0xa7: {  	s28 =	simm.s32 $_size_execute0_lowered;
	s3 =	sadd.s32 s3, s5;
	[dreg:$0x0] =	wrdreg $0x0  }
0xa8: {  	s5 =	sshll.u32 s28, $0x1;
	[dreg:$0x2] =	wrdreg s3  }
0xa9: {  	[dreg:$0x3] =	wrdreg s5  }
0xaa: {  	[dreg:$0x4] =	wrdreg $0xC0  }
0xab: {  	_ =	task [dreg:s7], $0x5FFFF  }
0xac: {  	[dreg:$0x1] =	wrdreg $0xFFFFFFFF  }
0xad: {  	[dreg:$0x0] =	wrdreg $0x60  }
0xae: {  	[dreg:$0x2] =	wrdreg s2  }
0xaf: {  	[dreg:$0x3] =	wrdreg s24  }
0xb0: {  	[dreg:$0x4] =	wrdreg $0x88000  }
0xb1: {  	[dreg:$0x5] =	wrdreg $0x9  }
0xb2: {  	_ =	task.clear_ibuf [dreg:s7], $0x6FFFF;
	_ =	strace $0x90000046  }
0xb3: {  	s29 =	simm.s32 $0x9;
	_ =	strace $0x80000048  }
0xb4: {  	_ =	swait.ge [sflag:s29], $0x1  }
0xb5: {  	[sflag:s29] =	ssyncadd.s32 $0xFFFFFFFF  }
0xb6: {  	_ =	strace $0x90000048  }
0xb7: {  	_ =	sfence  }
0xb8: {  	s30 =	sld [smem:$0x0];
	_ =	sdelay $0x2  }
0xb9: {  	s31 =	sshll.u32 s1, $0xD;
	s1 =	sshrl.u32 s1, $0x2  }
0xba: {  	s3 =	sand.u32 $0x4000, s31;
	s1 =	sadd.s32 s1, s30  }
0xbb: {  	s0 =	sor.u32 s3, s0;
	s1 =	sshll.u32 s1, $0x11  }
0xbc: {  	s0 =	sor.u32 s1, s0  }
0xbd: {  	s0 =	sadd.s32 $0x8F2B, s0  }
0xbe: {  	[sflag:s0] =	ssyncadd.remote.s32 $0x1  }
0xbf: {  	_ =	sfence.sel $0xFFFF  }
0xc0: {  	[dreg:$0x0] =	wrdreg $0xFFFFFFFF;
	(pc) =	sbr.abs _section_cstart, $3  }
0xc1: {  	[dreg:$0x1] =	wrdreg $0xFFFFFFFF  }
0xc2: {  	_ =	task.clear_ibuf [dreg:s7], $0x2FFFF;
	_ =	strace $0x9FFFFFFF  }
0xc3: {  	(tm) =	ssettm $0x7FFFFFFF  }
tec
execute0_lowered:
.L_overlay_start_1:
0x0: {  	(tag) =	ssettag $0x1  }
0x1: {  	s1 =	rddreg [dreg:$0x0]  }
0x2: {  	s0 =	rddreg [dreg:$0x1]  }
0x3: {  	s2 =	rddreg [dreg:$0x2];
	s10 =	stileid.u32  }
0x4: {  	s5 =	srdreg.scid;
	s4 =	simm.s32 $0x0;
	s11 =	simm.s32 $0x3  }
0x5: {  	s12 =	simm.s32 $0x400;
	s13 =	simm.s32 $0x80;
	s14 =	simm.s32 $0x800  }
0x6: {  	s15 =	simm.s32 $0x1;
	s16 =	simm.s32 $0x4800;
	s17 =	simm.s32 $0x2  }
0x7: {  	s18 =	simm.s32 $0x100;
	s19 =	simm.s32 $0x480;
	s20 =	simm.s32 $0x180  }
0x8: {  	s21 =	simm.s32 $0x500;
	s28 =	simm.s32 $0x300;
	s29 =	simm.s32 $0x680  }
0x9: {  	s30 =	simm.s32 $0x380;
	s31 =	simm.s32 $0x700;
	s3 =	smul.u32 $0x500, s10  }
0xa: {  	s5 =	sand.u32 $0x1, s5;
	s6 =	smul.u32 $0x278, s10;
	[smem:$0x7FF] =	sst s4  }
0xb: {  	s8 =	sadd.s32 $0xF600, s0;
	p0 =	sne.s32 s10, $0x0;
	s7 =	smul.u32 $0x2710, s5  }
0xc: {  	_ =	strace $0x80000047;
	[dreg:$0x4] =	wrdreg s8;
	s22 =	ssub.s32 $0x2, s5  }
0xd: {  	s5 =	smul.u32 $0x5000, s5;
	s6 =	smin.u32 s6, $0x2498;
	s9 =	sshrl.u32 s22, $0x1  }
0xe: {  	s3 =	sadd.s32 s3, s0;
	s7 =	sadd.s32 s7, s6;
	s23 =	ssub.s32 s22, s9  }
0xf: {  	s6 =	sshll.u32 s6, $0x7;
	s24 =	sadd.s32 s5, s3;
	s9 =	sadd.s32 $0x600, s3  }
0x10: {  	s22 =	simm.s32 $0x200;
	s3 =	simm.s32 $0x0;
	s7 =	sshll.u32 s7, $0x4  }
0x11: {  	s6 =	sadd.s32 s6, s2;
	s25 =	smax.u32 s23, $0x1;
	s8 =	sadd.s32 $0x5600, s24  }
0x12: {  	s0 =	sadd.s32 s7, s0;
	[dreg:$0x6] =	wrdreg s25;
	s26 =	sshrl.u32 s6, $0x3  }
0x13: {  	s23 =	simm.s32 $0x580;
	s0 =	sadd.s32 $0x36E00, s0;
	[dreg:$0x8] =	wrdreg s26  }
0x14: {  	s24 =	simm.s32 $0x280;
	[dreg:$0x5] =	wrdreg s0;
	s0 =	sshrl.u32 @!p0 s2, $0x3  }
0x15: {  	s26 =	simm.s32 $0x600;
	[dreg:$0x7] =	wrdreg s0;
	s0 =	simm.s32 $0x780  }
.LBB2_1:
0x16: {  	s6 =	rddreg [dreg:$0x4]  }
0x17: {  	s5 =	simm.s32 @!p0 $0x1C03;
	s7 =	rddreg [dreg:$0x7]  }
0x18: {  	[spmem:s7], [sflag:s5] =	dma.local @!p0 [hbm:s6], $0x27800  }
0x19: {  	s5 =	simm.s32 @!p0 $0x3  }
0x1a: {  	_ =	swait.ge @!p0 [sflag:s5], $0x27800  }
0x1b: {  	[sflag:s5] =	ssyncset.done @!p0 $0x0  }
0x1c: {  	[sflag:s5] =	ssyncadd.s32 @!p0 $0xFFFD8800  }
0x1d: {  	s10 =	sadd.s32 $0x0, s8;
	[bflag:$0x0] =	sbarrier.arrive $0xFFFF  }
0x1e: {  	[tilespmem:s4], [sflag:$0x3] =	stream.linear.gather [hbm4b:s10+s4], $0x400, $0x38;
	[tilespmem:$0x1C400] =	vst v63  }
0x1f: {  	_ =	swait.ge [sflag:s11], $0x400  }
0x20: {  	[sflag:s11] =	ssyncset.done $0x0  }
0x21: {  	s25 =	sadd.s32 $0x0, s9;
	[sflag:s11] =	ssyncadd.s32 $0xFFFFFC00  }
0x22: {  	[tilespmem:s12], [sflag:$0x3] =	stream.linear.gather [hbm4b:s25+s4], $0x400, $0x38;
	[tilespmem:$0x1C400] =	vst v63  }
0x23: {  	_ =	swait.ge [sflag:s11], $0x400  }
0x24: {  	[sflag:s11] =	ssyncset.done $0x0  }
0x25: {  	[sflag:s11] =	ssyncadd.s32 $0xFFFFFC00  }
0x26: {  	[tilespmem:s14], [sflag:$0x1] =	stream.indirect.gather [hbm4b:s1+s13], $0x80, s4, s13, $0xb8;
	[tilespmem:$0x1C400] =	vst v63  }
0x27: {  	_ =	swait.ge [sflag:s15], $0x4000  }
0x28: {  	[sflag:s15] =	ssyncset.done $0x0  }
0x29: {  	[sflag:s15] =	ssyncadd.s32 $0xFFFFC000  }
0x2a: {  	[tilespmem:s16], [sflag:$0x1] =	stream.indirect.gather [hbm4b:s1+s13], $0x80, s13, s13, $0xb8;
	[tilespmem:$0x1C400] =	vst v63  }
0x2b: {  	_ = 	snop  }
0x2c: {  	[spmem:s2] =	stream.indirect.scatter.add.f32 [tilespmem:s14], [sflag:$0x2], $0x80, s12, s13, $0xb8;
	[tilespmem:$0x1C400] =	vst v63  }
0x2d: {  	_ =	swait.ge [sflag:s15], $0x4000  }
0x2e: {  	[sflag:s15] =	ssyncset.done $0x0  }
0x2f: {  	[sflag:s15] =	ssyncadd.s32 $0xFFFFC000  }
0x30: {  	_ =	swait.ge [sflag:s17], $0x4000  }
0x31: {  	[sflag:s17] =	ssyncset.done $0x0  }
0x32: {  	[sflag:s17] =	ssyncadd.s32 $0xFFFFC000  }
0x33: {  	[tilespmem:s14], [sflag:$0x1] =	stream.indirect.gather [hbm4b:s1+s13], $0x80, s18, s13, $0xb8;
	[tilespmem:$0x1C400] =	vst v63  }
0x34: {  	_ = 	snop  }
0x35: {  	[spmem:s2] =	stream.indirect.scatter.add.f32 [tilespmem:s16], [sflag:$0x2], $0x80, s19, s13, $0xb8;
	[tilespmem:$0x1C400] =	vst v63  }
0x36: {  	_ =	swait.ge [sflag:s15], $0x4000  }
0x37: {  	[sflag:s15] =	ssyncset.done $0x0  }
0x38: {  	[sflag:s15] =	ssyncadd.s32 $0xFFFFC000  }
0x39: {  	_ =	swait.ge [sflag:s17], $0x4000  }
0x3a: {  	[sflag:s17] =	ssyncset.done $0x0  }
0x3b: {  	[sflag:s17] =	ssyncadd.s32 $0xFFFFC000  }
0x3c: {  	[tilespmem:s16], [sflag:$0x1] =	stream.indirect.gather [hbm4b:s1+s13], $0x80, s20, s13, $0xb8;
	[tilespmem:$0x1C400] =	vst v63  }
0x3d: {  	_ = 	snop  }
0x3e: {  	[spmem:s2] =	stream.indirect.scatter.add.f32 [tilespmem:s14], [sflag:$0x2], $0x80, s21, s13, $0xb8;
	[tilespmem:$0x1C400] =	vst v63  }
0x3f: {  	_ =	swait.ge [sflag:s15], $0x4000  }
0x40: {  	[sflag:s15] =	ssyncset.done $0x0  }
0x41: {  	[sflag:s15] =	ssyncadd.s32 $0xFFFFC000  }
0x42: {  	_ =	swait.ge [sflag:s17], $0x4000  }
0x43: {  	[sflag:s17] =	ssyncset.done $0x0  }
0x44: {  	[sflag:s17] =	ssyncadd.s32 $0xFFFFC000  }
0x45: {  	[tilespmem:s14], [sflag:$0x1] =	stream.indirect.gather [hbm4b:s1+s13], $0x80, s22, s13, $0xb8;
	[tilespmem:$0x1C400] =	vst v63  }
0x46: {  	_ = 	snop  }
0x47: {  	[spmem:s2] =	stream.indirect.scatter.add.f32 [tilespmem:s16], [sflag:$0x2], $0x80, s23, s13, $0xb8;
	[tilespmem:$0x1C400] =	vst v63  }
0x48: {  	_ =	swait.ge [sflag:s15], $0x4000  }
0x49: {  	[sflag:s15] =	ssyncset.done $0x0  }
0x4a: {  	[sflag:s15] =	ssyncadd.s32 $0xFFFFC000  }
0x4b: {  	_ =	swait.ge [sflag:s17], $0x4000  }
0x4c: {  	[sflag:s17] =	ssyncset.done $0x0  }
0x4d: {  	[sflag:s17] =	ssyncadd.s32 $0xFFFFC000  }
0x4e: {  	[tilespmem:s16], [sflag:$0x1] =	stream.indirect.gather [hbm4b:s1+s13], $0x80, s24, s13, $0xb8;
	[tilespmem:$0x1C400] =	vst v63  }
0x4f: {  	_ = 	snop  }
0x50: {  	[spmem:s2] =	stream.indirect.scatter.add.f32 [tilespmem:s14], [sflag:$0x2], $0x80, s26, s13, $0xb8;
	[tilespmem:$0x1C400] =	vst v63  }
0x51: {  	_ =	swait.ge [sflag:s15], $0x4000  }
0x52: {  	[sflag:s15] =	ssyncset.done $0x0  }
0x53: {  	[sflag:s15] =	ssyncadd.s32 $0xFFFFC000  }
0x54: {  	_ =	swait.ge [sflag:s17], $0x4000  }
0x55: {  	[sflag:s17] =	ssyncset.done $0x0  }
0x56: {  	[sflag:s17] =	ssyncadd.s32 $0xFFFFC000  }
0x57: {  	[tilespmem:s14], [sflag:$0x1] =	stream.indirect.gather [hbm4b:s1+s13], $0x80, s28, s13, $0xb8;
	[tilespmem:$0x1C400] =	vst v63  }
0x58: {  	_ = 	snop  }
0x59: {  	[spmem:s2] =	stream.indirect.scatter.add.f32 [tilespmem:s16], [sflag:$0x2], $0x80, s29, s13, $0xb8;
	[tilespmem:$0x1C400] =	vst v63  }
0x5a: {  	_ =	swait.ge [sflag:s15], $0x4000  }
0x5b: {  	[sflag:s15] =	ssyncset.done $0x0  }
0x5c: {  	[sflag:s15] =	ssyncadd.s32 $0xFFFFC000  }
0x5d: {  	_ =	swait.ge [sflag:s17], $0x4000  }
0x5e: {  	[sflag:s17] =	ssyncset.done $0x0  }
0x5f: {  	[sflag:s17] =	ssyncadd.s32 $0xFFFFC000  }
0x60: {  	[tilespmem:s16], [sflag:$0x1] =	stream.indirect.gather [hbm4b:s1+s13], $0x80, s30, s13, $0xb8;
	[tilespmem:$0x1C400] =	vst v63  }
0x61: {  	_ = 	snop  }
0x62: {  	[spmem:s2] =	stream.indirect.scatter.add.f32 [tilespmem:s14], [sflag:$0x2], $0x80, s31, s13, $0xb8;
	[tilespmem:$0x1C400] =	vst v63  }
0x63: {  	_ =	swait.ge [sflag:s15], $0x4000  }
0x64: {  	[sflag:s15] =	ssyncset.done $0x0  }
0x65: {  	[sflag:s15] =	ssyncadd.s32 $0xFFFFC000  }
0x66: {  	[spmem:s2] =	stream.indirect.scatter.add.f32 [tilespmem:s16], [sflag:$0x2], $0x80, s0, s13, $0xb8;
	[tilespmem:$0x1C400] =	vst v63  }
0x67: {  	_ =	swait.ge [sflag:s17], $0x4000  }
0x68: {  	[sflag:s17] =	ssyncset.done $0x0  }
0x69: {  	[sflag:s17] =	ssyncadd.s32 $0xFFFFC000  }
0x6a: {  	_ =	swait.ge [sflag:s17], $0x4000  }
0x6b: {  	s6 =	simm.s32 $0x100;
	s5 =	simm.s32 $0x80;
	[sflag:s17] =	ssyncset.done $0x0  }
.LBB2_2:
0x6c: {  	s10 =	sadd.s32 s5, s8  }
0x6d: {  	[sflag:s17] =	ssyncadd.s32 $0xFFFFC000;
	s25 =	smov.u32 s6;
	s7 =	sadd.s32 $0x80, s6  }
0x6e: {  	[tilespmem:s4], [sflag:$0x3] =	stream.linear.gather [hbm4b:s10+s4], $0x400, $0x38;
	[tilespmem:$0x1C400] =	vst v63  }
0x6f: {  	p1 =	sne.s32 s6, $0x480;
	_ =	swait.ge [sflag:s11], $0x400  }
0x70: {  	[sflag:s11] =	ssyncset.done $0x0  }
0x71: {  	s6 =	sadd.s32 s5, s9;
	s5 =	smov.u32 s25;
	[sflag:s11] =	ssyncadd.s32 $0xFFFFFC00  }
0x72: {  	[tilespmem:s12], [sflag:$0x3] =	stream.linear.gather [hbm4b:s6+s4], $0x400, $0x38;
	[tilespmem:$0x1C400] =	vst v63  }
0x73: {  	_ =	swait.ge [sflag:s11], $0x400  }
0x74: {  	[sflag:s11] =	ssyncset.done $0x0  }
0x75: {  	[sflag:s11] =	ssyncadd.s32 $0xFFFFFC00  }
0x76: {  	[tilespmem:s14], [sflag:$0x1] =	stream.indirect.gather [hbm4b:s1+s13], $0x80, s4, s13, $0xb8;
	[tilespmem:$0x1C400] =	vst v63  }
0x77: {  	_ =	swait.ge [sflag:s15], $0x4000  }
0x78: {  	[sflag:s15] =	ssyncset.done $0x0  }
0x79: {  	[sflag:s15] =	ssyncadd.s32 $0xFFFFC000  }
0x7a: {  	[tilespmem:s16], [sflag:$0x1] =	stream.indirect.gather [hbm4b:s1+s13], $0x80, s13, s13, $0xb8;
	[tilespmem:$0x1C400] =	vst v63  }
0x7b: {  	_ = 	snop  }
0x7c: {  	[spmem:s2] =	stream.indirect.scatter.add.f32 [tilespmem:s14], [sflag:$0x2], $0x80, s12, s13, $0xb8;
	[tilespmem:$0x1C400] =	vst v63  }
0x7d: {  	_ =	swait.ge [sflag:s15], $0x4000  }
0x7e: {  	[sflag:s15] =	ssyncset.done $0x0  }
0x7f: {  	[sflag:s15] =	ssyncadd.s32 $0xFFFFC000  }
0x80: {  	_ =	swait.ge [sflag:s17], $0x4000  }
0x81: {  	[sflag:s17] =	ssyncset.done $0x0  }
0x82: {  	[sflag:s17] =	ssyncadd.s32 $0xFFFFC000  }
0x83: {  	[tilespmem:s14], [sflag:$0x1] =	stream.indirect.gather [hbm4b:s1+s13], $0x80, s18, s13, $0xb8;
	[tilespmem:$0x1C400] =	vst v63  }
0x84: {  	_ = 	snop  }
0x85: {  	[spmem:s2] =	stream.indirect.scatter.add.f32 [tilespmem:s16], [sflag:$0x2], $0x80, s19, s13, $0xb8;
	[tilespmem:$0x1C400] =	vst v63  }
0x86: {  	_ =	swait.ge [sflag:s15], $0x4000  }
0x87: {  	[sflag:s15] =	ssyncset.done $0x0  }
0x88: {  	[sflag:s15] =	ssyncadd.s32 $0xFFFFC000  }
0x89: {  	_ =	swait.ge [sflag:s17], $0x4000  }
0x8a: {  	[sflag:s17] =	ssyncset.done $0x0  }
0x8b: {  	[sflag:s17] =	ssyncadd.s32 $0xFFFFC000  }
0x8c: {  	[tilespmem:s16], [sflag:$0x1] =	stream.indirect.gather [hbm4b:s1+s13], $0x80, s20, s13, $0xb8;
	[tilespmem:$0x1C400] =	vst v63  }
0x8d: {  	_ = 	snop  }
0x8e: {  	[spmem:s2] =	stream.indirect.scatter.add.f32 [tilespmem:s14], [sflag:$0x2], $0x80, s21, s13, $0xb8;
	[tilespmem:$0x1C400] =	vst v63  }
0x8f: {  	_ =	swait.ge [sflag:s15], $0x4000  }
0x90: {  	[sflag:s15] =	ssyncset.done $0x0  }
0x91: {  	[sflag:s15] =	ssyncadd.s32 $0xFFFFC000  }
0x92: {  	_ =	swait.ge [sflag:s17], $0x4000  }
0x93: {  	[sflag:s17] =	ssyncset.done $0x0  }
0x94: {  	[sflag:s17] =	ssyncadd.s32 $0xFFFFC000  }
0x95: {  	[tilespmem:s14], [sflag:$0x1] =	stream.indirect.gather [hbm4b:s1+s13], $0x80, s22, s13, $0xb8;
	[tilespmem:$0x1C400] =	vst v63  }
0x96: {  	_ = 	snop  }
0x97: {  	[spmem:s2] =	stream.indirect.scatter.add.f32 [tilespmem:s16], [sflag:$0x2], $0x80, s23, s13, $0xb8;
	[tilespmem:$0x1C400] =	vst v63  }
0x98: {  	_ =	swait.ge [sflag:s15], $0x4000  }
0x99: {  	[sflag:s15] =	ssyncset.done $0x0  }
0x9a: {  	[sflag:s15] =	ssyncadd.s32 $0xFFFFC000  }
0x9b: {  	_ =	swait.ge [sflag:s17], $0x4000  }
0x9c: {  	[sflag:s17] =	ssyncset.done $0x0  }
0x9d: {  	[sflag:s17] =	ssyncadd.s32 $0xFFFFC000  }
0x9e: {  	[tilespmem:s16], [sflag:$0x1] =	stream.indirect.gather [hbm4b:s1+s13], $0x80, s24, s13, $0xb8;
	[tilespmem:$0x1C400] =	vst v63  }
0x9f: {  	_ = 	snop  }
0xa0: {  	[spmem:s2] =	stream.indirect.scatter.add.f32 [tilespmem:s14], [sflag:$0x2], $0x80, s26, s13, $0xb8;
	[tilespmem:$0x1C400] =	vst v63  }
0xa1: {  	_ =	swait.ge [sflag:s15], $0x4000  }
0xa2: {  	[sflag:s15] =	ssyncset.done $0x0  }
0xa3: {  	[sflag:s15] =	ssyncadd.s32 $0xFFFFC000  }
0xa4: {  	_ =	swait.ge [sflag:s17], $0x4000  }
0xa5: {  	[sflag:s17] =	ssyncset.done $0x0  }
0xa6: {  	[sflag:s17] =	ssyncadd.s32 $0xFFFFC000  }
0xa7: {  	[tilespmem:s14], [sflag:$0x1] =	stream.indirect.gather [hbm4b:s1+s13], $0x80, s28, s13, $0xb8;
	[tilespmem:$0x1C400] =	vst v63  }
0xa8: {  	_ = 	snop  }
0xa9: {  	[spmem:s2] =	stream.indirect.scatter.add.f32 [tilespmem:s16], [sflag:$0x2], $0x80, s29, s13, $0xb8;
	[tilespmem:$0x1C400] =	vst v63  }
0xaa: {  	_ =	swait.ge [sflag:s15], $0x4000  }
0xab: {  	[sflag:s15] =	ssyncset.done $0x0  }
0xac: {  	[sflag:s15] =	ssyncadd.s32 $0xFFFFC000  }
0xad: {  	_ =	swait.ge [sflag:s17], $0x4000  }
0xae: {  	[sflag:s17] =	ssyncset.done $0x0  }
0xaf: {  	[sflag:s17] =	ssyncadd.s32 $0xFFFFC000  }
0xb0: {  	[tilespmem:s16], [sflag:$0x1] =	stream.indirect.gather [hbm4b:s1+s13], $0x80, s30, s13, $0xb8;
	[tilespmem:$0x1C400] =	vst v63  }
0xb1: {  	_ = 	snop  }
0xb2: {  	[spmem:s2] =	stream.indirect.scatter.add.f32 [tilespmem:s14], [sflag:$0x2], $0x80, s31, s13, $0xb8;
	[tilespmem:$0x1C400] =	vst v63  }
0xb3: {  	_ =	swait.ge [sflag:s15], $0x4000  }
0xb4: {  	[sflag:s15] =	ssyncset.done $0x0  }
0xb5: {  	[sflag:s15] =	ssyncadd.s32 $0xFFFFC000  }
0xb6: {  	[spmem:s2] =	stream.indirect.scatter.add.f32 [tilespmem:s16], [sflag:$0x2], $0x80, s0, s13, $0xb8;
	[tilespmem:$0x1C400] =	vst v63  }
.Ltmp0:
0xb7: {  	_ =	swait.ge [sflag:s17], $0x4000;
	(pc) =	sbr.rel @p1 .LBB2_2-.Ltmp0, $4  }
0xb8: {  	[sflag:s17] =	ssyncset.done $0x0  }
0xb9: {  	[sflag:s17] =	ssyncadd.s32 $0xFFFFC000  }
0xba: {  	_ =	swait.ge [sflag:s17], $0x4000  }
0xbb: {  	s6 =	smov.u32 s7;
	[sflag:s17] =	ssyncset.done $0x0  }
0xbc: {  	s6 =	sadd.s32 s5, s8;
	[sflag:s17] =	ssyncadd.s32 $0xFFFFC000  }
0xbd: {  	[tilespmem:s4], [sflag:$0x3] =	stream.linear.gather [hbm4b:s6+s4], $0x400, $0x38;
	[tilespmem:$0x1C400] =	vst v63  }
0xbe: {  	_ =	swait.ge [sflag:s11], $0x400  }
0xbf: {  	[sflag:s11] =	ssyncset.done $0x0  }
0xc0: {  	s6 =	sadd.s32 s5, s9;
	[sflag:s11] =	ssyncadd.s32 $0xFFFFFC00  }
0xc1: {  	[tilespmem:s12], [sflag:$0x3] =	stream.linear.gather [hbm4b:s6+s4], $0x400, $0x38;
	[tilespmem:$0x1C400] =	vst v63  }
0xc2: {  	_ =	swait.ge [sflag:s11], $0x400  }
0xc3: {  	[sflag:s11] =	ssyncset.done $0x0  }
0xc4: {  	[sflag:s11] =	ssyncadd.s32 $0xFFFFFC00  }
0xc5: {  	[tilespmem:s14], [sflag:$0x1] =	stream.indirect.gather [hbm4b:s1+s13], $0x80, s4, s13, $0xb8;
	[tilespmem:$0x1C400] =	vst v63  }
0xc6: {  	_ =	swait.ge [sflag:s15], $0x4000  }
0xc7: {  	[sflag:s15] =	ssyncset.done $0x0  }
0xc8: {  	[sflag:s15] =	ssyncadd.s32 $0xFFFFC000  }
0xc9: {  	[tilespmem:s16], [sflag:$0x1] =	stream.indirect.gather [hbm4b:s1+s13], $0x80, s13, s13, $0xb8;
	[tilespmem:$0x1C400] =	vst v63  }
0xca: {  	_ = 	snop  }
0xcb: {  	[spmem:s2] =	stream.indirect.scatter.add.f32 [tilespmem:s14], [sflag:$0x2], $0x80, s12, s13, $0xb8;
	[tilespmem:$0x1C400] =	vst v63  }
0xcc: {  	_ =	swait.ge [sflag:s15], $0x4000  }
0xcd: {  	[sflag:s15] =	ssyncset.done $0x0  }
0xce: {  	[sflag:s15] =	ssyncadd.s32 $0xFFFFC000  }
0xcf: {  	_ =	swait.ge [sflag:s17], $0x4000  }
0xd0: {  	[sflag:s17] =	ssyncset.done $0x0  }
0xd1: {  	[sflag:s17] =	ssyncadd.s32 $0xFFFFC000  }
0xd2: {  	[tilespmem:s14], [sflag:$0x1] =	stream.indirect.gather [hbm4b:s1+s13], $0x80, s18, s13, $0xb8;
	[tilespmem:$0x1C400] =	vst v63  }
0xd3: {  	_ = 	snop  }
0xd4: {  	[spmem:s2] =	stream.indirect.scatter.add.f32 [tilespmem:s16], [sflag:$0x2], $0x80, s19, s13, $0xb8;
	[tilespmem:$0x1C400] =	vst v63  }
0xd5: {  	_ =	swait.ge [sflag:s15], $0x4000  }
0xd6: {  	[sflag:s15] =	ssyncset.done $0x0  }
0xd7: {  	[sflag:s15] =	ssyncadd.s32 $0xFFFFC000  }
0xd8: {  	_ =	swait.ge [sflag:s17], $0x4000  }
0xd9: {  	[sflag:s17] =	ssyncset.done $0x0  }
0xda: {  	[sflag:s17] =	ssyncadd.s32 $0xFFFFC000  }
0xdb: {  	[tilespmem:s16], [sflag:$0x1] =	stream.indirect.gather [hbm4b:s1+s13], $0x80, s20, s13, $0xb8;
	[tilespmem:$0x1C400] =	vst v63  }
0xdc: {  	_ = 	snop  }
0xdd: {  	[spmem:s2] =	stream.indirect.scatter.add.f32 [tilespmem:s14], [sflag:$0x2], $0x80, s21, s13, $0xb8;
	[tilespmem:$0x1C400] =	vst v63  }
0xde: {  	_ =	swait.ge [sflag:s15], $0x4000  }
0xdf: {  	[sflag:s15] =	ssyncset.done $0x0  }
0xe0: {  	[sflag:s15] =	ssyncadd.s32 $0xFFFFC000  }
0xe1: {  	_ =	swait.ge [sflag:s17], $0x4000  }
0xe2: {  	[sflag:s17] =	ssyncset.done $0x0  }
0xe3: {  	[sflag:s17] =	ssyncadd.s32 $0xFFFFC000  }
0xe4: {  	[tilespmem:s14], [sflag:$0x1] =	stream.indirect.gather [hbm4b:s1+s13], $0x80, s22, s13, $0xb8;
	[tilespmem:$0x1C400] =	vst v63  }
0xe5: {  	_ = 	snop  }
0xe6: {  	[spmem:s2] =	stream.indirect.scatter.add.f32 [tilespmem:s16], [sflag:$0x2], $0x80, s23, s13, $0xb8;
	[tilespmem:$0x1C400] =	vst v63  }
0xe7: {  	_ =	swait.ge [sflag:s15], $0x4000  }
0xe8: {  	[sflag:s15] =	ssyncset.done $0x0  }
0xe9: {  	[sflag:s15] =	ssyncadd.s32 $0xFFFFC000  }
0xea: {  	_ =	swait.ge [sflag:s17], $0x4000  }
0xeb: {  	[sflag:s17] =	ssyncset.done $0x0  }
0xec: {  	[sflag:s17] =	ssyncadd.s32 $0xFFFFC000  }
0xed: {  	[tilespmem:s16], [sflag:$0x1] =	stream.indirect.gather [hbm4b:s1+s13], $0x80, s24, s13, $0xb8;
	[tilespmem:$0x1C400] =	vst v63  }
0xee: {  	_ = 	snop  }
0xef: {  	[spmem:s2] =	stream.indirect.scatter.add.f32 [tilespmem:s14], [sflag:$0x2], $0x80, s26, s13, $0xb8;
	[tilespmem:$0x1C400] =	vst v63  }
0xf0: {  	_ =	swait.ge [sflag:s15], $0x4000  }
0xf1: {  	[sflag:s15] =	ssyncset.done $0x0  }
0xf2: {  	[sflag:s15] =	ssyncadd.s32 $0xFFFFC000  }
0xf3: {  	_ =	swait.ge [sflag:s17], $0x4000  }
0xf4: {  	[sflag:s17] =	ssyncset.done $0x0  }
0xf5: {  	[sflag:s17] =	ssyncadd.s32 $0xFFFFC000  }
0xf6: {  	[tilespmem:s14], [sflag:$0x1] =	stream.indirect.gather [hbm4b:s1+s13], $0x80, s28, s13, $0xb8;
	[tilespmem:$0x1C400] =	vst v63  }
0xf7: {  	_ = 	snop  }
0xf8: {  	[spmem:s2] =	stream.indirect.scatter.add.f32 [tilespmem:s16], [sflag:$0x2], $0x80, s29, s13, $0xb8;
	[tilespmem:$0x1C400] =	vst v63  }
0xf9: {  	_ =	swait.ge [sflag:s15], $0x4000  }
0xfa: {  	[sflag:s15] =	ssyncset.done $0x0  }
0xfb: {  	[sflag:s15] =	ssyncadd.s32 $0xFFFFC000  }
0xfc: {  	_ =	swait.ge [sflag:s17], $0x4000  }
0xfd: {  	[sflag:s17] =	ssyncset.done $0x0  }
0xfe: {  	[sflag:s17] =	ssyncadd.s32 $0xFFFFC000  }
0xff: {  	[tilespmem:s16], [sflag:$0x1] =	stream.indirect.gather [hbm4b:s1+s13], $0x80, s30, s13, $0xb8;
	[tilespmem:$0x1C400] =	vst v63  }
0x100: {  	_ = 	snop  }
0x101: {  	[spmem:s2] =	stream.indirect.scatter.add.f32 [tilespmem:s14], [sflag:$0x2], $0x80, s31, s13, $0xb8;
	[tilespmem:$0x1C400] =	vst v63  }
0x102: {  	_ =	swait.ge [sflag:s15], $0x4000  }
0x103: {  	[sflag:s15] =	ssyncset.done $0x0  }
0x104: {  	[sflag:s15] =	ssyncadd.s32 $0xFFFFC000  }
0x105: {  	[spmem:s2] =	stream.indirect.scatter.add.f32 [tilespmem:s16], [sflag:$0x2], $0x80, s0, s13, $0xb8;
	[tilespmem:$0x1C400] =	vst v63  }
0x106: {  	_ =	swait.ge [sflag:s17], $0x4000  }
0x107: {  	[sflag:s17] =	ssyncset.done $0x0  }
0x108: {  	[sflag:s17] =	ssyncadd.s32 $0xFFFFC000  }
0x109: {  	_ =	swait.ge [sflag:s17], $0x4000  }
0x10a: {  	[sflag:s17] =	ssyncset.done $0x0  }
0x10b: {  	[sflag:s17] =	ssyncadd.s32 $0xFFFFC000  }
0x10c: {  	s7 =	stileid.u32;
	[bflag:$0x0] =	sbarrier.arrive $0xFFFF  }
0x10d: {  	s5 =	sshll.u32 s7, $0x6;
	s10 =	rddreg [dreg:$0x5]  }
0x10e: {  	s5 =	sor.u32 $0x1C03, s5;
	s7 =	rddreg [dreg:$0x8]  }
0x10f: {  	[hbm:s10], [sflag:s5] =	dma.local [spmem:s7], $0x2780  }
0x110: {  	_ =	swait.ge [sflag:s11], $0x2780  }
0x111: {  	s3 =	sadd.s32 $0x1, s3;
	s25 =	rddreg [dreg:$0x6]  }
0x112: {  	p1 =	sne.s32 s3, s25  }
.Ltmp1:
0x113: {  	_ = 	snop;
	(pc) =	sbr.rel @p1 .LBB2_1-.Ltmp1, $3  }
0x114: {  	_ =	sdelay $0x1  }
0x115: {  	[sflag:s11] =	ssyncset.done $0x0  }
0x116: {  	[sflag:s11] =	ssyncadd.s32 $0xFFFFD880  }
0x117: {  	_ =	sfence.sel $0x180000  }
0x118: {  	[bflag:$0x0] =	sbarrier.arrive $0xFFFF  }
0x119: {  	_ =	strace $0x90000047  }
0x11a: {  	[bflag:$0x2] =	sbarrier.arrive $0xFFFF  }
0x11b: {  	s0 =	rddreg [dreg:$0x3]  }
0x11c: {  	s0 =	sadd.s32 @!p0 $0x100000, s0  }
0x11d: {  	[sflag:s0] =	ssyncadd.tile.s32 @!p0 $0x1;
	_ =	shalt  }
.Lfunc_end2:
_tile_overlayer_lowered:
.L_overlay_start_2:
0x11e: {  	(tag) =	ssettag $0x2  }
0x11f: {  	s0 =	rddreg [dreg:$0x0];
	s2 =	stileid.u32  }
0x120: {  	s1 =	rddreg [dreg:$0x1];
	p0 =	sne.s32 s2, $0x0  }
0x121: {  	s3 =	rddreg [dreg:$0x2];
	[bflag:$0x3] =	sbarrier.arrive $0xFFFF;
	s2 =	simm.s32 @!p0 $0x1C03  }
0x122: {  	[timem:s3], [sflag:s2] =	dma.local @!p0 [hbm:s0], s1  }
0x123: {  	s0 =	simm.s32 @!p0 $0x3  }
0x124: {  	_ =	swait.ge @!p0 [sflag:s0], s1  }
0x125: {  	s1 =	ssub.s32 @!p0 $0x0, s1;
	[sflag:s0] =	ssyncset.done @!p0 $0x0  }
0x126: {  	[sflag:s0] =	ssyncadd.s32 @!p0 s1  }
0x127: {  	[bflag:$0x3] =	sbarrier.arrive $0xFFFF  }
0x128: {  	_ =	shalt  }

// kernel: kernel.8.cloned.1.call-start
scs
__scs_entry_jumppad:
0x0: {  	(pc) =	sbr.rel $0x88, $3  }
0x1: {  	(tag) =	ssettag $0x0;
	lr =	simm.s32 $0x1  }
0x2: {  	[smem:$0x3F9F] =	sst lr;
	_ =	strace $0xD0000000  }
0x3: {  	_ = 	snop  }
0x4: {  	_ = 	snop  }
0x5: {  	_ = 	snop  }
0x6: {  	_ = 	snop  }
0x7: {  	_ = 	snop  }
__scs_overlays_trampoline_lowered:
0x8: {  	[smem:$0x3FAE] =	sst s0  }
0x9: {  	[smem:$0x3FAF] =	sst s1  }
0xa: {  	[smem:$0x3FB0] =	sst s2  }
0xb: {  	[smem:$0x3FB1] =	sst s3  }
0xc: {  	[smem:$0x3FB2] =	sst s4  }
0xd: {  	[smem:$0x3FB3] =	sst s5  }
0xe: {  	[smem:$0x3FB4] =	sst s6  }
0xf: {  	[smem:$0x3FB5] =	sst s7  }
0x10: {  	[smem:$0x3FB6] =	sst s8  }
0x11: {  	[smem:$0x3FB7] =	sst s9;
	s0 =	simm.s32 @!p0 $0x0  }
0x12: {  	s1 =	sld [smem:$0x3F9D];
	s0 =	simm.s32 @p0 $0x1  }
0x13: {  	[smem:$0x3FB8] =	sst s0;
	s0 =	simm.s32 @!p1 $0x0  }
0x14: {  	s2 =	sld [smem:$0x3F9C];
	s0 =	simm.s32 @p1 $0x1  }
0x15: {  	[smem:$0x3FB9] =	sst s0;
	s0 =	simm.s32 @!p2 $0x0  }
0x16: {  	s3 =	sld [smem:$0x3FDB];
	s0 =	simm.s32 @p2 $0x1  }
0x17: {  	s4 =	simm.s32 $0x1BF5;
	[smem:$0x3FBB] =	sst s0  }
0x18: {  	s0 =	sld [smem:$0x3F9E];
	_ =	swait.ge [sflag:s4], $0x0  }
0x19: {  	s7 =	sld [smem:$0x3F9F]  }
0x1a: {  	s8 =	sadd.s32 $0xFFFFE003, lr  }
0x1b: {  	s9 =	sadd.s32 $0xFFFFFEF7, lr;
	s5 =	simm.s32 $0xFFFFFFFF;
	p2 =	slt.u32 s8, $0xFFFFF086  }
0x1c: {  	p1 =	slt.u32 s9, $0xF7A;
	s5 =	simm.s32 @!p2 $0x0  }
0x1d: {  	s5 =	simm.s32 @p1 $0x1;
	p0 =	seq.s32 s7, s2  }
0x1e: {  	s7 =	smul.u32 @!p0 $0xF7A, s2;
	p2 =	seq.s32 @!p0 s5, $0x0  }
0x1f: {  	s9 =	smul.u32 $0xF7A, s1;
	s8 =	simm.s32 @!p0 $0x1BF5;
	p2 =	por !p2, p0  }
0x20: {  	[sflag:s8] =	ssyncset.s32 @!p0 $0xFFFFF086;
	s6 =	sadd.s32 @!p0 s3, s7;
	s7 =	simm.s32 @!p0 $0x108  }
0x21: {  	s3 =	sadd.s32 s3, s9;
	s6 =	sadd.s32 @!p0 $0x88, s6;
	s7 =	simm.s32 @p2 $0x1082  }
0x22: {  	[simem:s7], [sflag:s8] =	dma.local @!p0 [hbm:s6], $0xF7A  }
0x23: {  	s9 =	sor.u32 $0xD0000000, s2;
	s6 =	simm.s32 $0x108;
	_ =	swait.ge @!p0 [sflag:s8], $0x0  }
0x24: {  	s3 =	sadd.s32 $0x88, s3;
	s6 =	simm.s32 @!p1 $0x1082;
	[sflag:s4] =	ssyncset.s32 $0xFFFFF086  }
0x25: {  	[simem:s6], [sflag:s4] =	dma.local [hbm:s3], $0xF7A  }
0x26: {  	[smem:$0x3F9F] =	sst s1;
	(tag) =	ssettag s2;
	_ =	strace s9  }
0x27: {  	s1 =	sld [smem:$0x3FAF]  }
0x28: {  	s2 =	sld [smem:$0x3FB0]  }
0x29: {  	s4 =	sld [smem:$0x3FB2]  }
0x2a: {  	p0 =	seq.s32 s5, $0x0;
	s5 =	sld [smem:$0x3FB3]  }
0x2b: {  	s6 =	sld [smem:$0x3FB4]  }
0x2c: {  	s7 =	sld [smem:$0x3FB5]  }
0x2d: {  	s3 =	simm.s32 $0x108;
	s8 =	sld [smem:$0x3FB6]  }
0x2e: {  	s3 =	simm.s32 @!p0 $0x1082;
	s9 =	sld [smem:$0x3FB7]  }
0x2f: {  	lr =	sadd.s32 s0, s3;
	s0 =	sld [smem:$0x3FAE]  }
0x30: {  	s3 =	sld [smem:$0x3FB1]  }
0x31: {  	[smem:$0x3FBA] =	sst s10  }
0x32: {  	s10 =	sld [smem:$0x3FB8];
	_ =	sdelay $0x3  }
0x33: {  	p0 =	seq.s32 s10, $0x1;
	s10 =	sld [smem:$0x3FBA];
	_ =	sdelay $0x3  }
0x34: {  	[smem:$0x3FBA] =	sst s10  }
0x35: {  	s10 =	sld [smem:$0x3FB9];
	_ =	sdelay $0x3  }
0x36: {  	p1 =	seq.s32 s10, $0x1;
	s10 =	sld [smem:$0x3FBA];
	_ =	sdelay $0x3  }
0x37: {  	[smem:$0x3FBA] =	sst s10  }
0x38: {  	s10 =	sld [smem:$0x3FBB]  }
0x39: {  	_ = 	snop;
	(pc) =	sbr.ind lr, $3  }
0x3a: {  	_ = 	snop  }
0x3b: {  	_ = 	snop  }
0x3c: {  	p2 =	seq.s32 s10, $0x1;
	s10 =	sld [smem:$0x3FBA]  }
0x3d: {  	_ =	shalt  }
0x3e: {  	_ =	shalt  }
0x3f: {  	_ =	shalt  }
0x40: {  	_ =	shalt  }
0x41: {  	_ =	shalt  }
0x42: {  	_ =	shalt  }
0x43: {  	_ =	shalt  }
0x44: {  	_ =	shalt  }
0x45: {  	_ =	shalt  }
0x46: {  	_ =	shalt  }
0x47: {  	_ =	shalt  }
0x48: {  	_ =	shalt  }
0x49: {  	_ =	shalt  }
0x4a: {  	_ =	shalt  }
0x4b: {  	_ =	shalt  }
0x4c: {  	_ =	shalt  }
0x4d: {  	_ =	shalt  }
0x4e: {  	_ =	shalt  }
0x4f: {  	_ =	shalt  }
0x50: {  	_ =	shalt  }
0x51: {  	_ =	shalt  }
0x52: {  	_ =	shalt  }
0x53: {  	_ =	shalt  }
0x54: {  	_ =	shalt  }
0x55: {  	_ =	shalt  }
0x56: {  	_ =	shalt  }
0x57: {  	_ =	shalt  }
0x58: {  	_ =	shalt  }
0x59: {  	_ =	shalt  }
0x5a: {  	_ =	shalt  }
0x5b: {  	_ =	shalt  }
0x5c: {  	_ =	shalt  }
0x5d: {  	_ =	shalt  }
0x5e: {  	_ =	shalt  }
0x5f: {  	_ =	shalt  }
0x60: {  	_ =	shalt  }
0x61: {  	_ =	shalt  }
0x62: {  	_ =	shalt  }
0x63: {  	_ =	shalt  }
0x64: {  	_ =	shalt  }
0x65: {  	_ =	shalt  }
0x66: {  	_ =	shalt  }
0x67: {  	_ =	shalt  }
0x68: {  	_ =	shalt  }
0x69: {  	_ =	shalt  }
0x6a: {  	_ =	shalt  }
0x6b: {  	_ =	shalt  }
0x6c: {  	_ =	shalt  }
0x6d: {  	_ =	shalt  }
0x6e: {  	_ =	shalt  }
0x6f: {  	_ =	shalt  }
0x70: {  	_ =	shalt  }
0x71: {  	_ =	shalt  }
0x72: {  	_ =	shalt  }
0x73: {  	_ =	shalt  }
0x74: {  	_ =	shalt  }
0x75: {  	_ =	shalt  }
0x76: {  	_ =	shalt  }
0x77: {  	_ =	shalt  }
0x78: {  	_ =	shalt  }
0x79: {  	_ =	shalt  }
0x7a: {  	_ =	shalt  }
0x7b: {  	_ =	shalt  }
0x7c: {  	_ =	shalt  }
0x7d: {  	_ =	shalt  }
0x7e: {  	_ =	shalt  }
0x7f: {  	_ =	shalt  }
0x80: {  	_ =	shalt  }
0x81: {  	_ =	shalt  }
0x82: {  	_ =	shalt  }
0x83: {  	_ =	shalt  }
0x84: {  	_ =	shalt  }
0x85: {  	_ =	shalt  }
0x86: {  	_ =	shalt  }
0x87: {  	_ =	shalt  }
.Lfunc_end0:
.L_simem_size_0:
called_computation.1_lowered:
.L_overlay_start_0:
0x88: {  	s2 =	sld [smem:$0x3FD9]  }
0x89: {  	s3 =	sld [smem:$0x3FFE];
	_ =	sdelay $0x1  }
0x8a: {  	s1 =	srdreg.scid  }
0x8b: {  	s0 =	sand.u32 $0x1, s1  }
0x8c: {  	s17 =	sshll.u32 s0, $0xA;
	s2 =	sadd.s32 s3, s2  }
0x8d: {  	s2 =	sadd.s32 s2, s17  }
0x8e: {  	[smem:$0x3FC6] =	sst s2  }
0x8f: {  	_ = 	snop  }
0x90: {  	(tm) =	ssettm $0x1  }
0x91: {  	s18 =	sld [smem:$0x3FFB];
	_ =	sdelay $0x3  }
0x92: {  	_ =	strace s18  }
0x93: {  	s2 =	sld [smem:$0x3FFC];
	_ =	sdelay $0x3  }
0x94: {  	_ =	strace s2  }
0x95: {  	s2 =	sld [smem:$0x3FFD];
	_ =	sdelay $0x3  }
0x96: {  	_ =	strace s2  }
0x97: {  	_ =	strace $0x8FFFFFFF  }
0x98: {  	s19 =	sld [smem:$0x3FDB];
	_ =	sdelay $0x1  }
0x99: {  	s20 =	simm.s32 $_scs_section_size  }
0x9a: {  	s4 =	simm.s32 $_size__tile_overlayer_lowered;
	s5 =	simm.s32 $_tile_overlayer_lowered  }
0x9b: {  	s6 =	simm.s32 $0x1BFF;
	s21 =	sshll.u32 s5, $0x1;
	s3 =	sadd.s32 s20, s19  }
0x9c: {  	s22 =	simm.s32 $0x0;
	s4 =	sshll.u32 s4, $0x1;
	s5 =	sadd.s32 s21, s3  }
0x9d: {  	[timem:s22], [sflag:s6] =	dma.local [hbm:s5], s4  }
0x9e: {  	_ =	swait.ge [sflag:s6], s4  }
0x9f: {  	s4 =	ssub.s32 $0x0, s4;
	[sflag:s6] =	ssyncset.done $0x0  }
0xa0: {  	[sflag:s6] =	ssyncadd.s32 s4;
	_ =	sdelay $0x1  }
0xa1: {  	s23 =	simm.s32 $0x1B8B  }
0xa2: {  	_ =	swait.ge [sflag:s23], $0x1  }
0xa3: {  	[sflag:s23] =	ssyncset.done $0x0  }
0xa4: {  	[sflag:s23] =	ssyncadd.s32 $0xFFFFFFFF  }
0xa5: {  	s4 =	sld [smem:$0x0]  }
0xa6: {  	s5 =	sand.u32 $0xFFFFFFFE, s1  }
0xa7: {  	p0 =	sne.s32 s1, s5  }
0xa8: {  	s5 =	sshll.u32 @p0 s5, $0xE  }
0xa9: {  	s5 =	sadd.s32 @p0 $0x11B8D, s5;
	s6 =	sshll.u32 @p0 s4, $0x11  }
0xaa: {  	s5 =	sor.u32 @p0 s6, s5  }
0xab: {  	[sflag:s5] =	ssyncadd.remote.s32 @p0 $0x1;
	_ =	sdelay $0x1  }
0xac: {  	s5 =	simm.s32 @p0 $0x1B8D  }
0xad: {  	_ =	swait.eq @p0 [sflag:s5], $0x1  }
0xae: {  	[sflag:s5] =	ssyncadd.s32 @p0 $0xFFFFFFFF  }
0xaf: {  	s6 =	sshll.u32 @!p0 s1, $0xE  }
0xb0: {  	s6 =	sor.u32 @!p0 $0x4000, s6;
	s5 =	simm.s32 @!p0 $0x1B8D  }
0xb1: {  	s4 =	sshll.u32 @!p0 s4, $0x11;
	s6 =	sadd.s32 @!p0 $0x11B8D, s6;
	_ =	swait.eq @!p0 [sflag:s5], $0x1  }
0xb2: {  	s4 =	sor.u32 @!p0 s4, s6;
	[sflag:s5] =	ssyncadd.s32 @!p0 $0xFFFFFFFF  }
0xb3: {  	s25 =	simm.s32 $0x1B8E;
	s24 =	sld [smem:$0x3FFE];
	[sflag:s4] =	ssyncadd.remote.s32 @!p0 $0x1  }
0xb4: {  	s26 =	simm.s32 $execute0_lowered;
	[smem:$0x3FD2] =	sst s25  }
0xb5: {  	s5 =	sshll.u32 s26, $0x1;
	_ =	strace $0x80000049;
	[dreg:$0x1] =	wrdreg $0xFFFFFFFF  }
0xb6: {  	s28 =	simm.s32 $_size_execute0_lowered;
	s3 =	sadd.s32 s3, s5;
	[dreg:$0x0] =	wrdreg $0x0  }
0xb7: {  	s5 =	sshll.u32 s28, $0x1;
	[dreg:$0x2] =	wrdreg s3  }
0xb8: {  	[dreg:$0x3] =	wrdreg s5  }
0xb9: {  	[dreg:$0x4] =	wrdreg $0xC0  }
0xba: {  	_ =	task [dreg:s22], $0x5FFFF  }
0xbb: {  	[dreg:$0x1] =	wrdreg $0xFFFFFFFF  }
0xbc: {  	[dreg:$0x0] =	wrdreg $0x60  }
0xbd: {  	[dreg:$0x2] =	wrdreg s24  }
0xbe: {  	[dreg:$0x3] =	wrdreg $0x40800  }
0xbf: {  	[dreg:$0x4] =	wrdreg $0xA  }
0xc0: {  	_ =	task.clear_ibuf [dreg:s22], $0x5FFFF;
	_ =	strace $0x90000049  }
0xc1: {  	s29 =	simm.s32 $0xA;
	_ =	strace $0x8000004B  }
0xc2: {  	_ =	swait.ge [sflag:s29], $0x1  }
0xc3: {  	[sflag:s29] =	ssyncadd.s32 $0xFFFFFFFF  }
0xc4: {  	_ =	strace $0x9000004B  }
0xc5: {  	_ =	sfence  }
0xc6: {  	s30 =	sld [smem:$0x0];
	_ =	sdelay $0x2  }
0xc7: {  	s31 =	sshll.u32 s1, $0xD;
	s1 =	sshrl.u32 s1, $0x2  }
0xc8: {  	s4 =	sand.u32 $0x4000, s31;
	s1 =	sadd.s32 s1, s30  }
0xc9: {  	s0 =	sor.u32 s4, s0;
	s1 =	sshll.u32 s1, $0x11  }
0xca: {  	s0 =	sor.u32 s1, s0  }
0xcb: {  	s0 =	sadd.s32 $0x8F2B, s0  }
0xcc: {  	[sflag:s0] =	ssyncadd.remote.s32 $0x1  }
0xcd: {  	_ =	sfence.sel $0xFFFF  }
0xce: {  	[dreg:$0x0] =	wrdreg $0xFFFFFFFF;
	(pc) =	sbr.abs _section_cstart, $3  }
0xcf: {  	[dreg:$0x1] =	wrdreg $0xFFFFFFFF  }
0xd0: {  	_ =	task.clear_ibuf [dreg:s22], $0x2FFFF;
	_ =	strace $0x9FFFFFFF  }
0xd1: {  	(tm) =	ssettm $0x7FFFFFFF  }
tec
execute0_lowered:
.L_overlay_start_1:
0x0: {  	(tag) =	ssettag $0x1  }
0x1: {  	s6 =	rddreg [dreg:$0x0]  }
0x2: {  	s1 =	rddreg [dreg:$0x1]  }
0x3: {  	s0 =	rddreg [dreg:$0x2]  }
0x4: {  	s3 =	srdreg.scid;
	s12 =	stileid.u32;
	s2 =	simm.s32 $0x0  }
0x5: {  	s14 =	simm.s32 $0x0;
	s7 =	sand.u32 $0x1, s3;
	s29 =	smul.u32 $0x278, s12  }
0x6: {  	[smem:$0x7FF] =	sst s2;
	s3 =	sadd.s32 $0x600, s6;
	s4 =	sadd.s32 $0xF600, s6  }
0x7: {  	s11 =	smul.u32 $0x500, s12;
	p0 =	sne.s32 s12, $0x0;
	s12 =	sshll.u32 s12, $0x6  }
0x8: {  	s5 =	smul.u32 $0x2710, s7;
	_ =	strace $0x8000004A;
	s10 =	ssub.s32 $0x2, s7  }
0x9: {  	s31 =	smul.u32 $0x280, s7;
	s12 =	sor.u32 $0x1C01, s12;
	s8 =	smin.u32 s29, $0x2498  }
0xa: {  	s30 =	sshrl.u32 s10, $0x1;
	s9 =	sadd.s32 s5, s8;
	s8 =	sshll.u32 s8, $0x7  }
0xb: {  	s5 =	sadd.s32 $0x85000, s6;
	s9 =	sshll.u32 s9, $0x4;
	s13 =	sadd.s32 s8, s1  }
0xc: {  	s8 =	sadd.s32 s31, s11;
	s11 =	simm.s32 $0x1;
	s6 =	sadd.s32 s9, s6  }
0xd: {  	s9 =	ssub.s32 s10, s30;
	s10 =	simm.s32 $0x80;
	s13 =	sshrl.u32 s13, $0x3  }
0xe: {  	s6 =	sadd.s32 $0x85800, s6;
	s7 =	smax.u32 s9, $0x1;
	s9 =	sshrl.u32 @!p0 s1, $0x3  }
.LBB2_1:
0xf: {  	s15 =	simm.s32 @!p0 $0x1C01  }
0x10: {  	[spmem:s9], [sflag:s15] =	dma.local @!p0 [hbm:s4], $0x27800  }
0x11: {  	s15 =	simm.s32 @!p0 $0x1  }
0x12: {  	_ =	swait.ge @!p0 [sflag:s15], $0x27800  }
0x13: {  	[sflag:s15] =	ssyncset.done @!p0 $0x0  }
0x14: {  	[sflag:s15] =	ssyncadd.s32 @!p0 $0xFFFD8800  }
0x15: {  	[tilespmem:s10], [sflag:$0x1] =	stream.linear.gather [hbm4b:s5+s2], $0x4000, $0x38;
	[tilespmem:$0x17C80] =	vst v63  }
0x16: {  	_ =	swait.ge [sflag:s11], $0x4000  }
0x17: {  	s30 =	sadd.s32 $0x0, s8;
	s16 =	sand.u32 $0x70, s2;
	[sflag:s11] =	ssyncset.done $0x0  }
0x18: {  	s16 =	sadd.s32 s3, s16;
	s15 =	sand.u32 $0xFFFFF80, s30;
	[sflag:s11] =	ssyncadd.s32 $0xFFFFC000  }
0x19: {  	s15 =	sadd.s32 s15, s16;
	[bflag:$0x0] =	sbarrier.arrive $0xFFFF  }
0x1a: {  	[tilespmem:s2], [sflag:$0x1] =	stream.linear.gather [hbm4b:s15+s2], $0x80, $0x38;
	[tilespmem:$0x17C80] =	vst v63  }
0x1b: {  	_ =	swait.ge [sflag:s11], $0x80  }
0x1c: {  	[sflag:s11] =	ssyncset.done $0x0  }
0x1d: {  	s31 =	simm.s32 $0x10;
	s17 =	sadd.s32 $0x10, s8;
	[sflag:s11] =	ssyncadd.s32 $0xFFFFFF80  }
0x1e: {  	[spmem:s1] =	stream.indirect.scatter.add.f32 [tilespmem:s10], [sflag:$0x1], $0x80, s2, s10, $0xb8;
	[tilespmem:$0x17C80] =	vst v63  }
0x1f: {  	s18 =	sand.u32 $0x70, s31;
	s16 =	sand.u32 $0xFFFFF80, s17;
	_ =	swait.ge [sflag:s11], $0x4000  }
0x20: {  	s17 =	sadd.s32 s3, s18;
	s15 =	simm.s32 $0x20;
	[sflag:s11] =	ssyncset.done $0x0  }
.LBB2_2:
0x21: {  	s16 =	sadd.s32 s16, s17  }
0x22: {  	[sflag:s11] =	ssyncadd.s32 $0xFFFFC000;
	s17 =	smov.u32 s15;
	s18 =	sadd.s32 $0x10, s15  }
0x23: {  	[tilespmem:s2], [sflag:$0x1] =	stream.linear.gather [hbm4b:s16+s2], $0x80, $0x38;
	[tilespmem:$0x17C80] =	vst v63  }
0x24: {  	p1 =	sne.s32 s15, $0x270;
	_ =	swait.ge [sflag:s11], $0x80  }
.Ltmp0:
0x25: {  	[sflag:s11] =	ssyncset.done $0x0;
	(pc) =	sbr.rel @p1 .LBB2_2-.Ltmp0, $4  }
0x26: {  	s15 =	sadd.s32 s17, s8;
	[sflag:s11] =	ssyncadd.s32 $0xFFFFFF80  }
0x27: {  	[spmem:s1] =	stream.indirect.scatter.add.f32 [tilespmem:s10], [sflag:$0x1], $0x80, s2, s10, $0xb8;
	[tilespmem:$0x17C80] =	vst v63  }
0x28: {  	s17 =	sand.u32 $0x70, s17;
	s16 =	sand.u32 $0xFFFFF80, s15;
	_ =	swait.ge [sflag:s11], $0x4000  }
0x29: {  	s17 =	sadd.s32 s3, s17;
	s15 =	smov.u32 s18;
	[sflag:s11] =	ssyncset.done $0x0  }
0x2a: {  	s15 =	sadd.s32 s16, s17;
	[sflag:s11] =	ssyncadd.s32 $0xFFFFC000  }
0x2b: {  	[tilespmem:s2], [sflag:$0x1] =	stream.linear.gather [hbm4b:s15+s2], $0x80, $0x38;
	[tilespmem:$0x17C80] =	vst v63  }
0x2c: {  	_ =	swait.ge [sflag:s11], $0x80  }
0x2d: {  	[sflag:s11] =	ssyncset.done $0x0  }
0x2e: {  	[sflag:s11] =	ssyncadd.s32 $0xFFFFFF80  }
0x2f: {  	[spmem:s1] =	stream.indirect.scatter.add.f32 [tilespmem:s10], [sflag:$0x1], $0x80, s2, s10, $0xb8;
	[tilespmem:$0x17C80] =	vst v63  }
0x30: {  	_ =	swait.ge [sflag:s11], $0x4000  }
0x31: {  	s14 =	sadd.s32 $0x1, s14;
	[sflag:s11] =	ssyncset.done $0x0  }
0x32: {  	p1 =	sne.s32 s14, s7;
	[sflag:s11] =	ssyncadd.s32 $0xFFFFC000  }
.Ltmp1:
0x33: {  	[bflag:$0x0] =	sbarrier.arrive $0xFFFF;
	(pc) =	sbr.rel @p1 .LBB2_1-.Ltmp1, $4  }
0x34: {  	[hbm:s6], [sflag:s12] =	dma.local [spmem:s13], $0x2780  }
0x35: {  	_ =	swait.ge [sflag:s11], $0x2780  }
0x36: {  	[sflag:s11] =	ssyncset.done $0x0  }
0x37: {  	[sflag:s11] =	ssyncadd.s32 $0xFFFFD880  }
0x38: {  	_ =	sfence.sel $0x180000  }
0x39: {  	[bflag:$0x0] =	sbarrier.arrive $0xFFFF  }
0x3a: {  	_ =	strace $0x9000004A  }
0x3b: {  	s0 =	sadd.s32 @!p0 $0x100000, s0;
	[bflag:$0x2] =	sbarrier.arrive $0xFFFF  }
0x3c: {  	[sflag:s0] =	ssyncadd.tile.s32 @!p0 $0x1;
	_ =	shalt  }
.Lfunc_end2:
_tile_overlayer_lowered:
.L_overlay_start_2:
0x3d: {  	(tag) =	ssettag $0x2  }
0x3e: {  	s0 =	rddreg [dreg:$0x0];
	s2 =	stileid.u32  }
0x3f: {  	s1 =	rddreg [dreg:$0x1];
	p0 =	sne.s32 s2, $0x0  }
0x40: {  	s3 =	rddreg [dreg:$0x2];
	[bflag:$0x3] =	sbarrier.arrive $0xFFFF;
	s2 =	simm.s32 @!p0 $0x1C01  }
0x41: {  	[timem:s3], [sflag:s2] =	dma.local @!p0 [hbm:s0], s1  }
0x42: {  	s0 =	simm.s32 @!p0 $0x1  }
0x43: {  	_ =	swait.ge @!p0 [sflag:s0], s1  }
0x44: {  	s1 =	ssub.s32 @!p0 $0x0, s1;
	[sflag:s0] =	ssyncset.done @!p0 $0x0  }
0x45: {  	[sflag:s0] =	ssyncadd.s32 @!p0 s1  }
0x46: {  	[bflag:$0x3] =	sbarrier.arrive $0xFFFF  }
0x47: {  	_ =	shalt  }

</sc_bundles>
